<compile_context>
chip_gen: v7x
topology: tpu7x:2x2x1
jax: 0.10.2.dev20260603
libtpu: 0.0.44.dev20260713+nightly
codegen_flags: <defaults>
</compile_context>

<pallas_src>
import jax
import jax.numpy as jnp
from jax import lax
from jax.experimental import pallas as pl
from jax.experimental.pallas import tpu as pltpu
from jax.experimental.pallas import tpu_sc as plsc

N_NODES = 100000
N_EDGES = 3200000
DN = 20
DE = 16
NP = 24
DH = 10
DHP = 16

NC = 2
NS = 16
NW = NC * NS

_CHUNK = 1000
_EPW = N_EDGES // NW
_ITERS = _EPW // _CHUNK

_mesh = plsc.VectorSubcoreMesh(
    core_axis_name="c", subcore_axis_name="s", num_cores=NC, num_subcores=NS)

_sc_params = pltpu.CompilerParams(use_tc_tiling_on_sc=False)


def _sc_gather_body(ptab, qtab, senders, receivers, z,
                    idx_s, idx_r, rows_v, sem, sem2):
    c = lax.axis_index("c")
    s = lax.axis_index("s")
    wid = s * NC + c
    base0 = wid * _EPW

    def body(i, carry):
        base = base0 + i * _CHUNK
        pltpu.sync_copy(senders.at[pl.ds(base, _CHUNK)], idx_s)
        pltpu.sync_copy(receivers.at[pl.ds(base, _CHUNK)], idx_r)
        pltpu.async_copy(ptab.at[idx_s], rows_v, sem).wait()
        pltpu.async_copy(qtab.at[idx_r], rows_v, sem2, add=True).wait()
        pltpu.sync_copy(rows_v, z.at[pl.ds(base, _CHUNK)])
        return carry

    lax.fori_loop(0, _ITERS, body, 0, unroll=False)


_sc_gather = pl.kernel(
    _sc_gather_body,
    out_type=jax.ShapeDtypeStruct((N_EDGES, 64), jnp.float32),
    mesh=_mesh,
    scratch_types=[
        pltpu.VMEM((_CHUNK,), jnp.int32),
        pltpu.VMEM((_CHUNK,), jnp.int32),
        pltpu.VMEM((_CHUNK, 64), jnp.float32),
        pltpu.SemaphoreType.DMA,
        pltpu.SemaphoreType.DMA,
    ],
    compiler_params=_sc_params,
)


_SCHUNK = 800
_EPT = N_EDGES // NS
_SITERS = _EPT // _SCHUNK
_NVR = _SCHUNK // 16


def _sc_scatter_body(msgs, receivers, zeros, agg2, idx_v, ridx_v, msg_v, sem,
                     accum):
    c = lax.axis_index("c")
    s = lax.axis_index("s")
    stripe = N_NODES // NS
    t0 = s * stripe
    pltpu.sync_copy(zeros.at[pl.ds(t0, stripe)], accum.at[pl.ds(t0, stripe)])

    base0 = c * N_EDGES + s * _EPT

    def init(j, carry):
        idx_v[pl.ds(j * 16, 16)] = base0 + j * 16 + lax.iota(jnp.int32, 16)
        return carry

    lax.fori_loop(0, _NVR, init, 0, unroll=False)
    plsc.subcore_barrier()

    def body(i, carry):
        base = base0 + i * _SCHUNK
        pltpu.sync_copy(receivers.at[pl.ds(base - c * N_EDGES, _SCHUNK)],
                        ridx_v)
        pltpu.async_copy(msgs.at[idx_v], msg_v, sem).wait()
        pltpu.sync_copy(msg_v, accum.at[ridx_v], add=True)

        def bump(j, carry2):
            sl = pl.ds(j * 16, 16)
            idx_v[sl] = idx_v[sl] + _SCHUNK
            return carry2

        lax.fori_loop(0, _NVR, bump, 0, unroll=False)
        return carry

    lax.fori_loop(0, _SITERS, body, 0, unroll=False)
    plsc.subcore_barrier()
    pltpu.sync_copy(accum.at[pl.ds(t0, stripe)], agg2.at[c, pl.ds(t0, stripe)])


_sc_scatter = pl.kernel(
    _sc_scatter_body,
    out_type=jax.ShapeDtypeStruct((NC, N_NODES, DHP), jnp.float32),
    mesh=_mesh,
    scratch_types=[
        pltpu.VMEM((_SCHUNK,), jnp.int32),
        pltpu.VMEM((_SCHUNK,), jnp.int32),
        pltpu.VMEM((_SCHUNK, DHP), jnp.float32),
        pltpu.SemaphoreType.DMA,
        pltpu.VMEM_SHARED((N_NODES, DHP), jnp.float32),
    ],
    compiler_params=_sc_params,
)


_BNP = 2000


def _proj_body(nodes, ws, wr, p, q):
    n = nodes[...]
    p[...] = jnp.dot(n, ws[...], preferred_element_type=jnp.float32)
    q[...] = jnp.dot(n, wr[...], preferred_element_type=jnp.float32)


def _full2d(shape):
    return pl.BlockSpec(shape, lambda i: (0, 0))


_proj = pl.pallas_call(
    _proj_body,
    grid=(N_NODES // _BNP,),
    in_specs=[
        pl.BlockSpec((_BNP, DN), lambda i: (i, 0)),
        _full2d((DN, 64)),
        _full2d((DN, 64)),
    ],
    out_specs=[pl.BlockSpec((_BNP, 64), lambda i: (i, 0)),
               pl.BlockSpec((_BNP, 64), lambda i: (i, 0))],
    out_shape=[jax.ShapeDtypeStruct((N_NODES, 64), jnp.float32),
               jax.ShapeDtypeStruct((N_NODES, 64), jnp.float32)],
)


_BE = 6400
_BE8 = _BE // 8


def _edge_mlp_body(ef8, z8, w1, b1, w2, b2, w3, b3, out):
    h = jnp.maximum(
        jnp.dot(ef8[...], w1[...], preferred_element_type=jnp.float32)
        + z8[...] + b1[...], 0.0)
    h = jnp.maximum(
        jnp.dot(h, w2[...], preferred_element_type=jnp.float32) + b2[...], 0.0)
    y = jnp.dot(h, w3[...], preferred_element_type=jnp.float32) + b3[...]
    out[0] = y[:, :128]
    out[1] = y[:, 128:]


_edge_mlp = pl.pallas_call(
    _edge_mlp_body,
    grid=(N_EDGES // _BE,),
    in_specs=[
        pl.BlockSpec((_BE8, 128), lambda i: (i, 0)),
        pl.BlockSpec((_BE8, 512), lambda i: (i, 0)),
        _full2d((128, 512)),
        _full2d((1, 512)),
        _full2d((512, 256)),
        _full2d((1, 256)),
        _full2d((256, 256)),
        _full2d((1, 256)),
    ],
    out_specs=pl.BlockSpec((NC, _BE8, 128), lambda i: (0, i, 0)),
    out_shape=jax.ShapeDtypeStruct((NC, N_EDGES // 8, 128), jnp.float32),
)


_BN8 = 1600
_N8P = 12800


def _node_mlp_body(nodes8, agg8, w1, b1, wa, wb, w2, b2, w3, b3, out):
    h = (jnp.dot(nodes8[...], w1[...], preferred_element_type=jnp.float32)
         + jnp.dot(agg8[0], wa[...], preferred_element_type=jnp.float32)
         + jnp.dot(agg8[1], wb[...], preferred_element_type=jnp.float32)
         + b1[...])
    h = jnp.maximum(h, 0.0)
    h = jnp.maximum(
        jnp.dot(h, w2[...], preferred_element_type=jnp.float32) + b2[...], 0.0)
    out[...] = jnp.dot(h, w3[...], preferred_element_type=jnp.float32) + b3[...]


_node_mlp = pl.pallas_call(
    _node_mlp_body,
    grid=(_N8P // _BN8,),
    in_specs=[
        pl.BlockSpec((_BN8, 160), lambda i: (i, 0)),
        pl.BlockSpec((NC, _BN8, 128), lambda i: (0, i, 0)),
        _full2d((160, 512)),
        _full2d((1, 512)),
        _full2d((128, 512)),
        _full2d((128, 512)),
        _full2d((512, 256)),
        _full2d((1, 256)),
        _full2d((256, 160)),
        _full2d((1, 160)),
    ],
    out_specs=pl.BlockSpec((_BN8, 160), lambda i: (i, 0)),
    out_shape=jax.ShapeDtypeStruct((_N8P, 160), jnp.float32),
)


def _blockdiag(w, r):
    k, n = w.shape
    out = jnp.zeros((r * k, r * n), w.dtype)
    for i in range(r):
        out = lax.dynamic_update_slice(out, w, (i * k, i * n))
    return out


def kernel(nodes, edge_features, senders, receivers,
           ew1, eb1, ew2, eb2, ew3, eb3,
           nw1, nb1, nw2, nb2, nw3, nb3):
    p, q = _proj(nodes, ew1[DE:DE + DN], ew1[DE + DN:])
    w1e8 = _blockdiag(ew1[:DE], 8)
    b1_8 = jnp.tile(eb1, 8)[None, :]
    w2_8 = _blockdiag(ew2, 8)
    b2_8 = jnp.tile(eb2, 8)[None, :]
    w3a = jnp.pad(ew3[:, :DH], ((0, 0), (0, DHP - DH)))
    w3b = jnp.pad(ew3[:, DH:], ((0, 0), (0, DHP - DH)))
    w3_8 = jnp.concatenate([_blockdiag(w3a, 8), _blockdiag(w3b, 8)], axis=1)
    b3a = jnp.pad(eb3[:DH], (0, DHP - DH))
    b3b = jnp.pad(eb3[DH:], (0, DHP - DH))
    b3_8 = jnp.concatenate([jnp.tile(b3a, 8), jnp.tile(b3b, 8)])[None, :]
    ef8 = edge_features.reshape(N_EDGES // 8, 8 * DE)

    z = _sc_gather(p, q, senders, receivers)
    msgs = _edge_mlp(ef8, z.reshape(N_EDGES // 8, 8 * 64),
                     w1e8, b1_8, w2_8, b2_8, w3_8, b3_8)
    agg2 = _sc_scatter(msgs.reshape(NC * N_EDGES, DHP), receivers,
                       jnp.zeros((N_NODES, DHP), jnp.float32))

    nodes8 = jnp.pad(nodes.reshape(N_NODES // 8, 8 * DN),
                     ((0, _N8P - N_NODES // 8), (0, 0)))
    agg8 = jnp.pad(agg2.reshape(NC, N_NODES // 8, 8 * DHP),
                   ((0, 0), (0, _N8P - N_NODES // 8), (0, 0)))
    w1n8 = _blockdiag(nw1[:DN], 8)
    w1a8 = _blockdiag(jnp.pad(nw1[DN:DN + DH], ((0, DHP - DH), (0, 0))), 8)
    w1b8 = _blockdiag(jnp.pad(nw1[DN + DH:], ((0, DHP - DH), (0, 0))), 8)
    nb1_8 = jnp.tile(nb1, 8)[None, :]
    w2n8 = _blockdiag(nw2, 8)
    nb2_8 = jnp.tile(nb2, 8)[None, :]
    w3n8 = _blockdiag(nw3, 8)
    nb3_8 = jnp.tile(nb3, 8)[None, :]
    out8 = _node_mlp(nodes8, agg8, w1n8, nb1_8, w1a8, w1b8,
                     w2n8, nb2_8, w3n8, nb3_8)
    return out8[:N_NODES // 8].reshape(N_NODES, DN)

# --- scband reference (transcript-rebuilt; emitter-appended) ---
"""Pipeline reference for scband-circuit-gnn-53919019434527 (READ-ONLY COPY).

The authoritative reference and input builder live on the scoring server;
editing this copy changes nothing except your own understanding.
"""

import jax, jax.numpy as jnp
import numpy as np

N = 100000
E = 3200000
HIDDEN = 16
ARITY = 2
LOGIT = 2 ** ARITY
DN = HIDDEN + LOGIT  # 20 (hidden features + gate logits)
DE = HIDDEN          # 16
EDGE_DIMS = [DE + 2 * DN, 64, 32, DN]  # [56, 64, 32, 20]
NODE_DIMS = [2 * DN, 64, 32, DN]       # [40, 64, 32, 20]


def _mlp_params(key, dims):
    params = []
    for i in range(len(dims) - 1):
        key, k = jax.random.split(key)
        w = jax.random.normal(k, (dims[i], dims[i + 1]), dtype=jnp.float32) * (1.0 / np.sqrt(dims[i]))
        b = jnp.zeros((dims[i + 1],), dtype=jnp.float32)
        params.extend([w, b])
    return params


def setup_inputs(seed: int = 0):
    key = jax.random.key(seed)
    ks = jax.random.split(key, 6)
    nodes = jax.random.normal(ks[0], (N, DN), dtype=jnp.float32)
    edge_features = jax.random.normal(ks[1], (E, DE), dtype=jnp.float32)
    senders = jax.random.randint(ks[2], (E,), 0, N, dtype=jnp.int32)
    receivers = jax.random.randint(ks[3], (E,), 0, N, dtype=jnp.int32)
    ew1, eb1, ew2, eb2, ew3, eb3 = _mlp_params(ks[4], EDGE_DIMS)
    nw1, nb1, nw2, nb2, nw3, nb3 = _mlp_params(ks[5], NODE_DIMS)
    return {
        'nodes': nodes, 'edge_features': edge_features,
        'senders': senders, 'receivers': receivers,
        'ew1': ew1, 'eb1': eb1, 'ew2': ew2, 'eb2': eb2, 'ew3': ew3, 'eb3': eb3,
        'nw1': nw1, 'nb1': nb1, 'nw2': nw2, 'nb2': nb2, 'nw3': nw3, 'nb3': nb3,
    }


def reference(nodes, edge_features, senders, receivers,
              ew1, eb1, ew2, eb2, ew3, eb3,
              nw1, nb1, nw2, nb2, nw3, nb3):
    # EdgeUpdateModule: message MLP over (edge_feat, sender_feat, receiver_feat)
    sender_f = nodes[senders]
    receiver_f = nodes[receivers]
    h = jnp.concatenate([edge_features, sender_f, receiver_f], axis=-1)
    h = jax.nn.relu(h @ ew1 + eb1)
    h = jax.nn.relu(h @ ew2 + eb2)
    messages = h @ ew3 + eb3
    # aggregate_sum: scatter-add messages to receiver nodes
    agg = jax.ops.segment_sum(messages, receivers, num_segments=nodes.shape[0])
    # NodeUpdateModule: node MLP over (node_feat, aggregated_messages)
    g = jnp.concatenate([nodes, agg], axis=-1)
    g = jax.nn.relu(g @ nw1 + nb1)
    g = jax.nn.relu(g @ nw2 + nb2)
    updated_nodes = g @ nw3 + nb3
    return updated_nodes

if __name__ == "__main__":
    import jax
    _d = setup_inputs()
    print(jax.jit(kernel)(*tuple(_d.values())))

</pallas_src>

<mosaic_0001>
#map = affine_map<(d0, d1) -> (0, 0)>
#map1 = affine_map<(d0, d1) -> (0)>
#map2 = affine_map<(d0, d1) -> (0, 0, 0)>
module attributes {stable_mosaic.version = 14 : i64} {
  func.func @_sc_scatter_body(%arg0: i32, %arg1: i32, %arg2: memref<6400000x16xf32, #tpu.memory_space<hbm>>, %arg3: memref<3200000xi32, #tpu.memory_space<hbm>>, %arg4: memref<100000x16xf32, #tpu.memory_space<hbm>>, %arg5: memref<2x100000x16xf32, #tpu.memory_space<hbm>>, %arg6: memref<800xi32, #tpu.memory_space<vmem>>, %arg7: memref<800xi32, #tpu.memory_space<vmem>>, %arg8: memref<800x16xf32, #tpu.memory_space<vmem>>, %arg9: memref<!tpu.dma_semaphore, #tpu.memory_space<semaphore_mem>>, %arg10: memref<100000x16xf32, #tpu.memory_space<vmem_shared>>) attributes {dimension_semantics = [#tpu.dimension_semantics<core_parallel>, #tpu.dimension_semantics<subcore_parallel>], iteration_bounds = array<i64: 2, 16>, scalar_prefetch = 0 : i64, scratch_operands = 5 : i64, tpu.core_type = #tpu.core_type<sc_vector_subcore>, window_params = [{transform_indices = #map}, {transform_indices = #map1}, {transform_indices = #map}, {transform_indices = #map2}]} {
    %mul3A = arith.constant 6250 : i32
    %mul3A_0 = arith.muli %arg1, %mul3A : i32
    "tpu.region"() ({
      %run_scoped3A = tpu.sem_alloc : memref<!tpu.dma_semaphore, #tpu.memory_space<semaphore_mem>>
      %dma_start3A = arith.constant 0 : i32
      %dma_start3A_17 = tpu.memref_slice %arg10[%mul3A_0, %dma_start3A] : memref<100000x16xf32, #tpu.memory_space<vmem_shared>> -> memref<6250x16xf32, #tpu.memory_space<vmem_shared>>
      %dma_start3A_18 = arith.constant 0 : i32
      %dma_start3A_19 = tpu.memref_slice %arg4[%mul3A_0, %dma_start3A_18] : memref<100000x16xf32, #tpu.memory_space<hbm>> -> memref<6250x16xf32, #tpu.memory_space<hbm>>
      tpu.enqueue_dma source(%dma_start3A_19 : memref<6250x16xf32, #tpu.memory_space<hbm>>) target(%dma_start3A_17 : memref<6250x16xf32, #tpu.memory_space<vmem_shared>>) target_semaphore(%run_scoped3A : memref<!tpu.dma_semaphore, #tpu.memory_space<semaphore_mem>>)
      %dma_wait3A = arith.constant 0 : i32
      %dma_wait3A_20 = tpu.memref_slice %arg10[%mul3A_0, %dma_wait3A] : memref<100000x16xf32, #tpu.memory_space<vmem_shared>> -> memref<6250x16xf32, #tpu.memory_space<vmem_shared>>
      %dma_wait3A_21 = arith.constant 0 : i32
      %dma_wait3A_22 = tpu.memref_slice %arg4[%mul3A_0, %dma_wait3A_21] : memref<100000x16xf32, #tpu.memory_space<hbm>> -> memref<6250x16xf32, #tpu.memory_space<hbm>>
      tpu.wait_dma2 semaphore(%run_scoped3A : memref<!tpu.dma_semaphore, #tpu.memory_space<semaphore_mem>>) src(%dma_wait3A_22 : memref<6250x16xf32, #tpu.memory_space<hbm>>) dst(%dma_wait3A_20 : memref<6250x16xf32, #tpu.memory_space<vmem_shared>>)
      tpu.yield
    }) : () -> ()
    %mul3A_1 = arith.constant 3200000 : i32
    %mul3A_2 = arith.muli %arg0, %mul3A_1 : i32
    %mul3A_3 = arith.constant 200000 : i32
    %mul3A_4 = arith.muli %arg1, %mul3A_3 : i32
    %add3A = arith.addi %mul3A_2, %mul3A_4 : i32
    %scan3A = arith.constant 0 : i32
    %scan3A_5 = arith.constant 0 : i32
    %scan3A_6 = arith.constant 50 : i32
    %scan3A_7 = arith.addi %scan3A_5, %scan3A_6 : i32
    %scan3A_8 = arith.constant 1 : i32
    scf.for %scan3A_17 = %scan3A_5 to %scan3A_7 step %scan3A_8  : i32 {
      %mul3A_18 = arith.constant 16 : i32
      %mul3A_19 = arith.muli %scan3A_17, %mul3A_18 : i32
      %add3A_20 = arith.addi %add3A, %mul3A_19 : i32
      %iota3A = tpu.iota {dimensions = array<i32: 0>} : vector<16xi32>
      %add3A_21 = vector.broadcast %add3A_20 : i32 to vector<16xi32>
      %add3A_22 = arith.addi %add3A_21, %iota3A : vector<16xi32>
      %mul3A_23 = arith.constant 16 : i32
      %mul3A_24 = arith.muli %scan3A_17, %mul3A_23 : i32
      %swap3A = arith.index_cast %mul3A_24 : i32 to index
      %swap3A_25 = tpu.vector_load %arg6[%swap3A] {strides = array<i32>} : memref<800xi32, #tpu.memory_space<vmem>>, vector<16xi32>,
      %swap3A_26 = vector.shape_cast %swap3A_25 : vector<16xi32> to vector<16xi32>
      %swap3A_27 = vector.shape_cast %add3A_22 : vector<16xi32> to vector<16xi32>
      tpu.vector_store %arg6[%swap3A], %swap3A_27 {strides = array<i32>} : memref<800xi32, #tpu.memory_space<vmem>>, vector<16xi32>,
    }
    %scan3A_9 = arith.constant 50 : i32
    %barrier3A = arith.constant 0 : index
    tpu.barrier barrier_id(%barrier3A)
    %scan3A_10 = arith.constant 0 : i32
    %scan3A_11 = arith.constant 0 : i32
    %scan3A_12 = arith.constant 250 : i32
    %scan3A_13 = arith.addi %scan3A_11, %scan3A_12 : i32
    %scan3A_14 = arith.constant 1 : i32
    scf.for %scan3A_17 = %scan3A_11 to %scan3A_13 step %scan3A_14  : i32 {
      %mul3A_18 = arith.constant 800 : i32
      %mul3A_19 = arith.muli %scan3A_17, %mul3A_18 : i32
      %add3A_20 = arith.addi %add3A, %mul3A_19 : i32
      %mul3A_21 = arith.constant 3200000 : i32
      %mul3A_22 = arith.muli %arg0, %mul3A_21 : i32
      %sub3A = arith.subi %add3A_20, %mul3A_22 : i32
      "tpu.region"() ({
        %run_scoped3A = tpu.sem_alloc : memref<!tpu.dma_semaphore, #tpu.memory_space<semaphore_mem>>
        %dma_start3A_33 = tpu.memref_slice %arg3[%sub3A] : memref<3200000xi32, #tpu.memory_space<hbm>> -> memref<800xi32, #tpu.memory_space<hbm>>
        %dma_start3A_34 = tpu.memref_slice %arg3[%sub3A] : memref<3200000xi32, #tpu.memory_space<hbm>> -> memref<800xi32, #tpu.memory_space<hbm>>
        tpu.enqueue_dma source(%dma_start3A_34 : memref<800xi32, #tpu.memory_space<hbm>>) target(%arg7 : memref<800xi32, #tpu.memory_space<vmem>>) target_semaphore(%run_scoped3A : memref<!tpu.dma_semaphore, #tpu.memory_space<semaphore_mem>>)
        %dma_wait3A_35 = tpu.memref_slice %arg3[%sub3A] : memref<3200000xi32, #tpu.memory_space<hbm>> -> memref<800xi32, #tpu.memory_space<hbm>>
        %dma_wait3A_36 = tpu.memref_slice %arg3[%sub3A] : memref<3200000xi32, #tpu.memory_space<hbm>> -> memref<800xi32, #tpu.memory_space<hbm>>
        tpu.wait_dma2 semaphore(%run_scoped3A : memref<!tpu.dma_semaphore, #tpu.memory_space<semaphore_mem>>) src(%dma_wait3A_36 : memref<800xi32, #tpu.memory_space<hbm>>) dst(%arg7 : memref<800xi32, #tpu.memory_space<vmem>>)
        tpu.yield
      }) : () -> ()
      %dma_start3A = arith.constant 0 : i32
      %dma_start3A_23 = arith.constant 0 : i32
      %dma_start3A_24 = tpu.memref_slice %arg2[%dma_start3A, %dma_start3A_23] : memref<6400000x16xf32, #tpu.memory_space<hbm>> -> memref<6400000x16xf32, #tpu.memory_space<hbm>>
      tpu.enqueue_indirect_dma source(%dma_start3A_24 : memref<6400000x16xf32, #tpu.memory_space<hbm>>) target(%arg8 : memref<800x16xf32, #tpu.memory_space<vmem>>) offsets(%arg6 : memref<800xi32, #tpu.memory_space<vmem>>) semaphore(%arg9 : memref<!tpu.dma_semaphore, #tpu.memory_space<semaphore_mem>>)
      %dma_wait3A = arith.constant 0 : i32
      %dma_wait3A_25 = arith.constant 0 : i32
      %dma_wait3A_26 = tpu.memref_slice %arg2[%dma_wait3A, %dma_wait3A_25] : memref<6400000x16xf32, #tpu.memory_space<hbm>> -> memref<6400000x16xf32, #tpu.memory_space<hbm>>
      tpu.wait_indirect_dma semaphore(%arg9 : memref<!tpu.dma_semaphore, #tpu.memory_space<semaphore_mem>>) src(%dma_wait3A_26 : memref<6400000x16xf32, #tpu.memory_space<hbm>>) dst(%arg8 : memref<800x16xf32, #tpu.memory_space<vmem>>)
      "tpu.region"() ({
        %run_scoped3A = tpu.sem_alloc : memref<!tpu.dma_semaphore, #tpu.memory_space<semaphore_mem>>
        %dma_start3A_33 = arith.constant 0 : i32
        %dma_start3A_34 = arith.constant 0 : i32
        %dma_start3A_35 = tpu.memref_slice %arg10[%dma_start3A_33, %dma_start3A_34] : memref<100000x16xf32, #tpu.memory_space<vmem_shared>> -> memref<100000x16xf32, #tpu.memory_space<vmem_shared>>
        tpu.enqueue_indirect_dma source(%arg8 : memref<800x16xf32, #tpu.memory_space<vmem>>) target(%dma_start3A_35 : memref<100000x16xf32, #tpu.memory_space<vmem_shared>>) offsets(%arg7 : memref<800xi32, #tpu.memory_space<vmem>>) semaphore(%run_scoped3A : memref<!tpu.dma_semaphore, #tpu.memory_space<semaphore_mem>>) {add = true}
        %dma_wait3A_36 = arith.constant 0 : i32
        %dma_wait3A_37 = arith.constant 0 : i32
        %dma_wait3A_38 = tpu.memref_slice %arg10[%dma_wait3A_36, %dma_wait3A_37] : memref<100000x16xf32, #tpu.memory_space<vmem_shared>> -> memref<100000x16xf32, #tpu.memory_space<vmem_shared>>
        tpu.wait_indirect_dma semaphore(%run_scoped3A : memref<!tpu.dma_semaphore, #tpu.memory_space<semaphore_mem>>) src(%arg8 : memref<800x16xf32, #tpu.memory_space<vmem>>) dst(%dma_wait3A_38 : memref<100000x16xf32, #tpu.memory_space<vmem_shared>>)
        tpu.yield
      }) : () -> ()
      %scan3A_27 = arith.constant 0 : i32
      %scan3A_28 = arith.constant 0 : i32
      %scan3A_29 = arith.constant 50 : i32
      %scan3A_30 = arith.addi %scan3A_28, %scan3A_29 : i32
      %scan3A_31 = arith.constant 1 : i32
      scf.for %scan3A_33 = %scan3A_28 to %scan3A_30 step %scan3A_31  : i32 {
        %mul3A_34 = arith.constant 16 : i32
        %mul3A_35 = arith.muli %scan3A_33, %mul3A_34 : i32
        %get3A = arith.index_cast %mul3A_35 : i32 to index
        %get3A_36 = tpu.vector_load %arg6[%get3A] {strides = array<i32>} : memref<800xi32, #tpu.memory_space<vmem>>, vector<16xi32>,
        %get3A_37 = vector.shape_cast %get3A_36 : vector<16xi32> to vector<16xi32>
        %add3A_38 = arith.constant 800 : i32
        %add3A_39 = vector.broadcast %add3A_38 : i32 to vector<16xi32>
        %add3A_40 = arith.addi %get3A_37, %add3A_39 : vector<16xi32>
        %swap3A = arith.index_cast %mul3A_35 : i32 to index
        %swap3A_41 = tpu.vector_load %arg6[%swap3A] {strides = array<i32>} : memref<800xi32, #tpu.memory_space<vmem>>, vector<16xi32>,
        %swap3A_42 = vector.shape_cast %swap3A_41 : vector<16xi32> to vector<16xi32>
        %swap3A_43 = vector.shape_cast %add3A_40 : vector<16xi32> to vector<16xi32>
        tpu.vector_store %arg6[%swap3A], %swap3A_43 {strides = array<i32>} : memref<800xi32, #tpu.memory_space<vmem>>, vector<16xi32>,
      }
      %scan3A_32 = arith.constant 50 : i32
    }
    %scan3A_15 = arith.constant 250 : i32
    %barrier3A_16 = arith.constant 0 : index
    tpu.barrier barrier_id(%barrier3A_16)
    "tpu.region"() ({
      %run_scoped3A = tpu.sem_alloc : memref<!tpu.dma_semaphore, #tpu.memory_space<semaphore_mem>>
      %dma_start3A = arith.constant 0 : i32
      %dma_start3A_17 = tpu.memref_slice %arg5[%arg0, %mul3A_0, %dma_start3A] : memref<2x100000x16xf32, #tpu.memory_space<hbm>> -> memref<1x6250x16xf32, #tpu.memory_space<hbm>>
      %dma_start3A_18 = tpu.memref_squeeze %dma_start3A_17 : memref<1x6250x16xf32, #tpu.memory_space<hbm>> -> memref<6250x16xf32, #tpu.memory_space<hbm>>
      %dma_start3A_19 = arith.constant 0 : i32
      %dma_start3A_20 = tpu.memref_slice %arg10[%mul3A_0, %dma_start3A_19] : memref<100000x16xf32, #tpu.memory_space<vmem_shared>> -> memref<6250x16xf32, #tpu.memory_space<vmem_shared>>
      tpu.enqueue_dma source(%dma_start3A_20 : memref<6250x16xf32, #tpu.memory_space<vmem_shared>>) target(%dma_start3A_18 : memref<6250x16xf32, #tpu.memory_space<hbm>>) target_semaphore(%run_scoped3A : memref<!tpu.dma_semaphore, #tpu.memory_space<semaphore_mem>>)
      %dma_wait3A = arith.constant 0 : i32
      %dma_wait3A_21 = tpu.memref_slice %arg5[%arg0, %mul3A_0, %dma_wait3A] : memref<2x100000x16xf32, #tpu.memory_space<hbm>> -> memref<1x6250x16xf32, #tpu.memory_space<hbm>>
      %dma_wait3A_22 = tpu.memref_squeeze %dma_wait3A_21 : memref<1x6250x16xf32, #tpu.memory_space<hbm>> -> memref<6250x16xf32, #tpu.memory_space<hbm>>
      %dma_wait3A_23 = arith.constant 0 : i32
      %dma_wait3A_24 = tpu.memref_slice %arg10[%mul3A_0, %dma_wait3A_23] : memref<100000x16xf32, #tpu.memory_space<vmem_shared>> -> memref<6250x16xf32, #tpu.memory_space<vmem_shared>>
      tpu.wait_dma2 semaphore(%run_scoped3A : memref<!tpu.dma_semaphore, #tpu.memory_space<semaphore_mem>>) src(%dma_wait3A_24 : memref<6250x16xf32, #tpu.memory_space<vmem_shared>>) dst(%dma_wait3A_22 : memref<6250x16xf32, #tpu.memory_space<hbm>>)
      tpu.yield
    }) : () -> ()
    return
  }
}

#map = affine_map<(d0, d1) -> (0, 0)>
#map1 = affine_map<(d0, d1) -> (0)>
module attributes {stable_mosaic.version = 14 : i64} {
  func.func @_sc_gather_body(%arg0: i32, %arg1: i32, %arg2: memref<100000x64xf32, #tpu.memory_space<hbm>>, %arg3: memref<100000x64xf32, #tpu.memory_space<hbm>>, %arg4: memref<3200000xi32, #tpu.memory_space<hbm>>, %arg5: memref<3200000xi32, #tpu.memory_space<hbm>>, %arg6: memref<3200000x64xf32, #tpu.memory_space<hbm>>, %arg7: memref<1000xi32, #tpu.memory_space<vmem>>, %arg8: memref<1000xi32, #tpu.memory_space<vmem>>, %arg9: memref<1000x64xf32, #tpu.memory_space<vmem>>, %arg10: memref<!tpu.dma_semaphore, #tpu.memory_space<semaphore_mem>>, %arg11: memref<!tpu.dma_semaphore, #tpu.memory_space<semaphore_mem>>) attributes {dimension_semantics = [#tpu.dimension_semantics<core_parallel>, #tpu.dimension_semantics<subcore_parallel>], iteration_bounds = array<i64: 2, 16>, scalar_prefetch = 0 : i64, scratch_operands = 5 : i64, tpu.core_type = #tpu.core_type<sc_vector_subcore>, window_params = [{transform_indices = #map}, {transform_indices = #map}, {transform_indices = #map1}, {transform_indices = #map1}, {transform_indices = #map}]} {
    %mul3A = arith.constant 2 : i32
    %mul3A_0 = arith.muli %arg1, %mul3A : i32
    %add3A = arith.addi %mul3A_0, %arg0 : i32
    %mul3A_1 = arith.constant 100000 : i32
    %mul3A_2 = arith.muli %add3A, %mul3A_1 : i32
    %scan3A = arith.constant 0 : i32
    %scan3A_3 = arith.constant 0 : i32
    %scan3A_4 = arith.constant 100 : i32
    %scan3A_5 = arith.addi %scan3A_3, %scan3A_4 : i32
    %scan3A_6 = arith.constant 1 : i32
    scf.for %scan3A_8 = %scan3A_3 to %scan3A_5 step %scan3A_6  : i32 {
      %mul3A_9 = arith.constant 1000 : i32
      %mul3A_10 = arith.muli %scan3A_8, %mul3A_9 : i32
      %add3A_11 = arith.addi %mul3A_2, %mul3A_10 : i32
      "tpu.region"() ({
        %run_scoped3A = tpu.sem_alloc : memref<!tpu.dma_semaphore, #tpu.memory_space<semaphore_mem>>
        %dma_start3A_22 = tpu.memref_slice %arg4[%add3A_11] : memref<3200000xi32, #tpu.memory_space<hbm>> -> memref<1000xi32, #tpu.memory_space<hbm>>
        %dma_start3A_23 = tpu.memref_slice %arg4[%add3A_11] : memref<3200000xi32, #tpu.memory_space<hbm>> -> memref<1000xi32, #tpu.memory_space<hbm>>
        tpu.enqueue_dma source(%dma_start3A_23 : memref<1000xi32, #tpu.memory_space<hbm>>) target(%arg7 : memref<1000xi32, #tpu.memory_space<vmem>>) target_semaphore(%run_scoped3A : memref<!tpu.dma_semaphore, #tpu.memory_space<semaphore_mem>>)
        %dma_wait3A_24 = tpu.memref_slice %arg4[%add3A_11] : memref<3200000xi32, #tpu.memory_space<hbm>> -> memref<1000xi32, #tpu.memory_space<hbm>>
        %dma_wait3A_25 = tpu.memref_slice %arg4[%add3A_11] : memref<3200000xi32, #tpu.memory_space<hbm>> -> memref<1000xi32, #tpu.memory_space<hbm>>
        tpu.wait_dma2 semaphore(%run_scoped3A : memref<!tpu.dma_semaphore, #tpu.memory_space<semaphore_mem>>) src(%dma_wait3A_25 : memref<1000xi32, #tpu.memory_space<hbm>>) dst(%arg7 : memref<1000xi32, #tpu.memory_space<vmem>>)
        tpu.yield
      }) : () -> ()
      "tpu.region"() ({
        %run_scoped3A = tpu.sem_alloc : memref<!tpu.dma_semaphore, #tpu.memory_space<semaphore_mem>>
        %dma_start3A_22 = tpu.memref_slice %arg5[%add3A_11] : memref<3200000xi32, #tpu.memory_space<hbm>> -> memref<1000xi32, #tpu.memory_space<hbm>>
        %dma_start3A_23 = tpu.memref_slice %arg5[%add3A_11] : memref<3200000xi32, #tpu.memory_space<hbm>> -> memref<1000xi32, #tpu.memory_space<hbm>>
        tpu.enqueue_dma source(%dma_start3A_23 : memref<1000xi32, #tpu.memory_space<hbm>>) target(%arg8 : memref<1000xi32, #tpu.memory_space<vmem>>) target_semaphore(%run_scoped3A : memref<!tpu.dma_semaphore, #tpu.memory_space<semaphore_mem>>)
        %dma_wait3A_24 = tpu.memref_slice %arg5[%add3A_11] : memref<3200000xi32, #tpu.memory_space<hbm>> -> memref<1000xi32, #tpu.memory_space<hbm>>
        %dma_wait3A_25 = tpu.memref_slice %arg5[%add3A_11] : memref<3200000xi32, #tpu.memory_space<hbm>> -> memref<1000xi32, #tpu.memory_space<hbm>>
        tpu.wait_dma2 semaphore(%run_scoped3A : memref<!tpu.dma_semaphore, #tpu.memory_space<semaphore_mem>>) src(%dma_wait3A_25 : memref<1000xi32, #tpu.memory_space<hbm>>) dst(%arg8 : memref<1000xi32, #tpu.memory_space<vmem>>)
        tpu.yield
      }) : () -> ()
      %dma_start3A = arith.constant 0 : i32
      %dma_start3A_12 = arith.constant 0 : i32
      %dma_start3A_13 = tpu.memref_slice %arg2[%dma_start3A, %dma_start3A_12] : memref<100000x64xf32, #tpu.memory_space<hbm>> -> memref<100000x64xf32, #tpu.memory_space<hbm>>
      tpu.enqueue_indirect_dma source(%dma_start3A_13 : memref<100000x64xf32, #tpu.memory_space<hbm>>) target(%arg9 : memref<1000x64xf32, #tpu.memory_space<vmem>>) offsets(%arg7 : memref<1000xi32, #tpu.memory_space<vmem>>) semaphore(%arg10 : memref<!tpu.dma_semaphore, #tpu.memory_space<semaphore_mem>>)
      %dma_wait3A = arith.constant 0 : i32
      %dma_wait3A_14 = arith.constant 0 : i32
      %dma_wait3A_15 = tpu.memref_slice %arg2[%dma_wait3A, %dma_wait3A_14] : memref<100000x64xf32, #tpu.memory_space<hbm>> -> memref<100000x64xf32, #tpu.memory_space<hbm>>
      tpu.wait_indirect_dma semaphore(%arg10 : memref<!tpu.dma_semaphore, #tpu.memory_space<semaphore_mem>>) src(%dma_wait3A_15 : memref<100000x64xf32, #tpu.memory_space<hbm>>) dst(%arg9 : memref<1000x64xf32, #tpu.memory_space<vmem>>)
      %dma_start3A_16 = arith.constant 0 : i32
      %dma_start3A_17 = arith.constant 0 : i32
      %dma_start3A_18 = tpu.memref_slice %arg3[%dma_start3A_16, %dma_start3A_17] : memref<100000x64xf32, #tpu.memory_space<hbm>> -> memref<100000x64xf32, #tpu.memory_space<hbm>>
      tpu.enqueue_indirect_dma source(%dma_start3A_18 : memref<100000x64xf32, #tpu.memory_space<hbm>>) target(%arg9 : memref<1000x64xf32, #tpu.memory_space<vmem>>) offsets(%arg8 : memref<1000xi32, #tpu.memory_space<vmem>>) semaphore(%arg11 : memref<!tpu.dma_semaphore, #tpu.memory_space<semaphore_mem>>) {add = true}
      %dma_wait3A_19 = arith.constant 0 : i32
      %dma_wait3A_20 = arith.constant 0 : i32
      %dma_wait3A_21 = tpu.memref_slice %arg3[%dma_wait3A_19, %dma_wait3A_20] : memref<100000x64xf32, #tpu.memory_space<hbm>> -> memref<100000x64xf32, #tpu.memory_space<hbm>>
      tpu.wait_indirect_dma semaphore(%arg11 : memref<!tpu.dma_semaphore, #tpu.memory_space<semaphore_mem>>) src(%dma_wait3A_21 : memref<100000x64xf32, #tpu.memory_space<hbm>>) dst(%arg9 : memref<1000x64xf32, #tpu.memory_space<vmem>>)
      "tpu.region"() ({
        %run_scoped3A = tpu.sem_alloc : memref<!tpu.dma_semaphore, #tpu.memory_space<semaphore_mem>>
        %dma_start3A_22 = arith.constant 0 : i32
        %dma_start3A_23 = tpu.memref_slice %arg6[%add3A_11, %dma_start3A_22] : memref<3200000x64xf32, #tpu.memory_space<hbm>> -> memref<1000x64xf32, #tpu.memory_space<hbm>>
        %dma_start3A_24 = arith.constant 0 : i32
        %dma_start3A_25 = tpu.memref_slice %arg6[%add3A_11, %dma_start3A_24] : memref<3200000x64xf32, #tpu.memory_space<hbm>> -> memref<1000x64xf32, #tpu.memory_space<hbm>>
        tpu.enqueue_dma source(%arg9 : memref<1000x64xf32, #tpu.memory_space<vmem>>) target(%dma_start3A_25 : memref<1000x64xf32, #tpu.memory_space<hbm>>) target_semaphore(%run_scoped3A : memref<!tpu.dma_semaphore, #tpu.memory_space<semaphore_mem>>)
        %dma_wait3A_26 = arith.constant 0 : i32
        %dma_wait3A_27 = tpu.memref_slice %arg6[%add3A_11, %dma_wait3A_26] : memref<3200000x64xf32, #tpu.memory_space<hbm>> -> memref<1000x64xf32, #tpu.memory_space<hbm>>
        %dma_wait3A_28 = arith.constant 0 : i32
        %dma_wait3A_29 = tpu.memref_slice %arg6[%add3A_11, %dma_wait3A_28] : memref<3200000x64xf32, #tpu.memory_space<hbm>> -> memref<1000x64xf32, #tpu.memory_space<hbm>>
        tpu.wait_dma2 semaphore(%run_scoped3A : memref<!tpu.dma_semaphore, #tpu.memory_space<semaphore_mem>>) src(%arg9 : memref<1000x64xf32, #tpu.memory_space<vmem>>) dst(%dma_wait3A_29 : memref<1000x64xf32, #tpu.memory_space<hbm>>)
        tpu.yield
      }) : () -> ()
    }
    %scan3A_7 = arith.constant 100 : i32
    return
  }
}

module attributes {stable_mosaic.version = 14 : i64} {
  func.func @_proj_body(%arg0: i32, %arg1: memref<2000x20xf32, #tpu.memory_space<vmem>>, %arg2: memref<20x64xf32, #tpu.memory_space<vmem>>, %arg3: memref<20x64xf32, #tpu.memory_space<vmem>>, %arg4: memref<2000x64xf32, #tpu.memory_space<vmem>>, %arg5: memref<2000x64xf32, #tpu.memory_space<vmem>>) attributes {dimension_semantics = [#tpu.dimension_semantics<arbitrary>], iteration_bounds = array<i64: 50>, scalar_prefetch = 0 : i64, scratch_operands = 0 : i64, tpu.core_type = #tpu.core_type<tc>, window_params = [{transform_indices = @transform_0, window_bounds = array<i64: 2000, 20>}, {pipeline_mode = #tpu.pipeline_mode<synchronous>, transform_indices = @transform_1, window_bounds = array<i64: 20, 64>}, {pipeline_mode = #tpu.pipeline_mode<synchronous>, transform_indices = @transform_2, window_bounds = array<i64: 20, 64>}, {transform_indices = @transform_3, window_bounds = array<i64: 2000, 64>}, {transform_indices = @transform_4, window_bounds = array<i64: 2000, 64>}]} {
    %get3A = arith.constant 0 : index
    %get3A_0 = arith.constant 0 : index
    %get3A_1 = vector.load %arg1[%get3A, %get3A_0] : memref<2000x20xf32, #tpu.memory_space<vmem>>, vector<2000x20xf32>
    %get3A_2 = arith.constant 0 : index
    %get3A_3 = arith.constant 0 : index
    %get3A_4 = vector.load %arg2[%get3A_2, %get3A_3] : memref<20x64xf32, #tpu.memory_space<vmem>>, vector<20x64xf32>
    %dot_general3A = arith.constant dense<0.000000e+00> : vector<2000x64xf32>
    %dot_general3A_5 = tpu.matmul %get3A_1, %get3A_4, %dot_general3A {dimension_numbers = #tpu.dot_dimension_numbers<[1], [0], [0], [1], [0, 0, 1, 1], [], []>, transpose_lhs_hint = false} : vector<2000x20xf32>, vector<20x64xf32>, vector<2000x64xf32> -> vector<2000x64xf32>
    %swap3A = arith.constant 0 : index
    %swap3A_6 = arith.constant 0 : index
    %swap3A_7 = vector.load %arg4[%swap3A, %swap3A_6] : memref<2000x64xf32, #tpu.memory_space<vmem>>, vector<2000x64xf32>
    tpu.vector_store %arg4[%swap3A, %swap3A_6], %dot_general3A_5 {strides = array<i32>} : memref<2000x64xf32, #tpu.memory_space<vmem>>, vector<2000x64xf32>,
    %get3A_8 = arith.constant 0 : index
    %get3A_9 = arith.constant 0 : index
    %get3A_10 = vector.load %arg3[%get3A_8, %get3A_9] : memref<20x64xf32, #tpu.memory_space<vmem>>, vector<20x64xf32>
    %dot_general3A_11 = arith.constant dense<0.000000e+00> : vector<2000x64xf32>
    %dot_general3A_12 = tpu.matmul %get3A_1, %get3A_10, %dot_general3A_11 {dimension_numbers = #tpu.dot_dimension_numbers<[1], [0], [0], [1], [0, 0, 1, 1], [], []>, transpose_lhs_hint = false} : vector<2000x20xf32>, vector<20x64xf32>, vector<2000x64xf32> -> vector<2000x64xf32>
    %swap3A_13 = arith.constant 0 : index
    %swap3A_14 = arith.constant 0 : index
    %swap3A_15 = vector.load %arg5[%swap3A_13, %swap3A_14] : memref<2000x64xf32, #tpu.memory_space<vmem>>, vector<2000x64xf32>
    tpu.vector_store %arg5[%swap3A_13, %swap3A_14], %dot_general3A_12 {strides = array<i32>} : memref<2000x64xf32, #tpu.memory_space<vmem>>, vector<2000x64xf32>,
    return
  }
  func.func @transform_0(%arg0: i32) -> (i32, i32) {
    %c0_i32 = arith.constant 0 : i32
    %c0_i32_0 = arith.constant 0 : i32
    return %arg0, %c0_i32 : i32, i32
  }
  func.func @transform_1(%arg0: i32) -> (i32, i32) {
    %c0_i32 = arith.constant 0 : i32
    %c0_i32_0 = arith.constant 0 : i32
    %c0_i32_1 = arith.constant 0 : i32
    return %c0_i32, %c0_i32_0 : i32, i32
  }
  func.func @transform_2(%arg0: i32) -> (i32, i32) {
    %c0_i32 = arith.constant 0 : i32
    %c0_i32_0 = arith.constant 0 : i32
    %c0_i32_1 = arith.constant 0 : i32
    return %c0_i32, %c0_i32_0 : i32, i32
  }
  func.func @transform_3(%arg0: i32) -> (i32, i32) {
    %c0_i32 = arith.constant 0 : i32
    %c0_i32_0 = arith.constant 0 : i32
    return %arg0, %c0_i32 : i32, i32
  }
  func.func @transform_4(%arg0: i32) -> (i32, i32) {
    %c0_i32 = arith.constant 0 : i32
    %c0_i32_0 = arith.constant 0 : i32
    return %arg0, %c0_i32 : i32, i32
  }
}

module attributes {stable_mosaic.version = 14 : i64} {
  func.func @_edge_mlp_body(%arg0: i32, %arg1: memref<800x128xf32, #tpu.memory_space<vmem>>, %arg2: memref<800x512xf32, #tpu.memory_space<vmem>>, %arg3: memref<128x512xf32, #tpu.memory_space<vmem>>, %arg4: memref<1x512xf32, #tpu.memory_space<vmem>>, %arg5: memref<512x256xf32, #tpu.memory_space<vmem>>, %arg6: memref<1x256xf32, #tpu.memory_space<vmem>>, %arg7: memref<256x256xf32, #tpu.memory_space<vmem>>, %arg8: memref<1x256xf32, #tpu.memory_space<vmem>>, %arg9: memref<2x800x128xf32, #tpu.memory_space<vmem>>) attributes {dimension_semantics = [#tpu.dimension_semantics<arbitrary>], iteration_bounds = array<i64: 500>, scalar_prefetch = 0 : i64, scratch_operands = 0 : i64, tpu.core_type = #tpu.core_type<tc>, window_params = [{transform_indices = @transform_0, window_bounds = array<i64: 800, 128>}, {transform_indices = @transform_1, window_bounds = array<i64: 800, 512>}, {pipeline_mode = #tpu.pipeline_mode<synchronous>, transform_indices = @transform_2, window_bounds = array<i64: 128, 512>}, {pipeline_mode = #tpu.pipeline_mode<synchronous>, transform_indices = @transform_3, window_bounds = array<i64: 1, 512>}, {pipeline_mode = #tpu.pipeline_mode<synchronous>, transform_indices = @transform_4, window_bounds = array<i64: 512, 256>}, {pipeline_mode = #tpu.pipeline_mode<synchronous>, transform_indices = @transform_5, window_bounds = array<i64: 1, 256>}, {pipeline_mode = #tpu.pipeline_mode<synchronous>, transform_indices = @transform_6, window_bounds = array<i64: 256, 256>}, {pipeline_mode = #tpu.pipeline_mode<synchronous>, transform_indices = @transform_7, window_bounds = array<i64: 1, 256>}, {transform_indices = @transform_8, window_bounds = array<i64: 2, 800, 128>}]} {
    %get3A = arith.constant 0 : index
    %get3A_0 = arith.constant 0 : index
    %get3A_1 = vector.load %arg1[%get3A, %get3A_0] : memref<800x128xf32, #tpu.memory_space<vmem>>, vector<800x128xf32>
    %get3A_2 = arith.constant 0 : index
    %get3A_3 = arith.constant 0 : index
    %get3A_4 = vector.load %arg3[%get3A_2, %get3A_3] : memref<128x512xf32, #tpu.memory_space<vmem>>, vector<128x512xf32>
    %dot_general3A = arith.constant dense<0.000000e+00> : vector<800x512xf32>
    %dot_general3A_5 = tpu.matmul %get3A_1, %get3A_4, %dot_general3A {dimension_numbers = #tpu.dot_dimension_numbers<[1], [0], [0], [1], [0, 0, 1, 1], [], []>, transpose_lhs_hint = false} : vector<800x128xf32>, vector<128x512xf32>, vector<800x512xf32> -> vector<800x512xf32>
    %get3A_6 = arith.constant 0 : index
    %get3A_7 = arith.constant 0 : index
    %get3A_8 = vector.load %arg2[%get3A_6, %get3A_7] : memref<800x512xf32, #tpu.memory_space<vmem>>, vector<800x512xf32>
    %add3A = arith.addf %dot_general3A_5, %get3A_8 : vector<800x512xf32>
    %get3A_9 = arith.constant 0 : index
    %get3A_10 = arith.constant 0 : index
    %get3A_11 = vector.load %arg4[%get3A_9, %get3A_10] : memref<1x512xf32, #tpu.memory_space<vmem>>, vector<1x512xf32>
    %add3A_12 = vector.broadcast %get3A_11 : vector<1x512xf32> to vector<800x512xf32>
    %add3A_13 = arith.addf %add3A, %add3A_12 : vector<800x512xf32>
    %max3A = arith.constant 0.000000e+00 : f32
    %max3A_14 = vector.broadcast %max3A : f32 to vector<800x512xf32>
    %max3A_15 = arith.maximumf %add3A_13, %max3A_14 : vector<800x512xf32>
    %get3A_16 = arith.constant 0 : index
    %get3A_17 = arith.constant 0 : index
    %get3A_18 = vector.load %arg5[%get3A_16, %get3A_17] : memref<512x256xf32, #tpu.memory_space<vmem>>, vector<512x256xf32>
    %dot_general3A_19 = arith.constant dense<0.000000e+00> : vector<800x256xf32>
    %dot_general3A_20 = tpu.matmul %max3A_15, %get3A_18, %dot_general3A_19 {dimension_numbers = #tpu.dot_dimension_numbers<[1], [0], [0], [1], [0, 0, 1, 1], [], []>, transpose_lhs_hint = false} : vector<800x512xf32>, vector<512x256xf32>, vector<800x256xf32> -> vector<800x256xf32>
    %get3A_21 = arith.constant 0 : index
    %get3A_22 = arith.constant 0 : index
    %get3A_23 = vector.load %arg6[%get3A_21, %get3A_22] : memref<1x256xf32, #tpu.memory_space<vmem>>, vector<1x256xf32>
    %add3A_24 = vector.broadcast %get3A_23 : vector<1x256xf32> to vector<800x256xf32>
    %add3A_25 = arith.addf %dot_general3A_20, %add3A_24 : vector<800x256xf32>
    %max3A_26 = arith.constant 0.000000e+00 : f32
    %max3A_27 = vector.broadcast %max3A_26 : f32 to vector<800x256xf32>
    %max3A_28 = arith.maximumf %add3A_25, %max3A_27 : vector<800x256xf32>
    %get3A_29 = arith.constant 0 : index
    %get3A_30 = arith.constant 0 : index
    %get3A_31 = vector.load %arg7[%get3A_29, %get3A_30] : memref<256x256xf32, #tpu.memory_space<vmem>>, vector<256x256xf32>
    %dot_general3A_32 = arith.constant dense<0.000000e+00> : vector<800x256xf32>
    %dot_general3A_33 = tpu.matmul %max3A_28, %get3A_31, %dot_general3A_32 {dimension_numbers = #tpu.dot_dimension_numbers<[1], [0], [0], [1], [0, 0, 1, 1], [], []>, transpose_lhs_hint = false} : vector<800x256xf32>, vector<256x256xf32>, vector<800x256xf32> -> vector<800x256xf32>
    %get3A_34 = arith.constant 0 : index
    %get3A_35 = arith.constant 0 : index
    %get3A_36 = vector.load %arg8[%get3A_34, %get3A_35] : memref<1x256xf32, #tpu.memory_space<vmem>>, vector<1x256xf32>
    %add3A_37 = vector.broadcast %get3A_36 : vector<1x256xf32> to vector<800x256xf32>
    %add3A_38 = arith.addf %dot_general3A_33, %add3A_37 : vector<800x256xf32>
    %slice3A = vector.extract_strided_slice %add3A_38 {offsets = [0, 0], sizes = [800, 128], strides = [1, 1]} : vector<800x256xf32> to vector<800x128xf32>
    %swap3A = arith.constant 0 : index
    %swap3A_39 = arith.constant 0 : index
    %swap3A_40 = arith.constant 0 : index
    %swap3A_41 = vector.load %arg9[%swap3A, %swap3A_39, %swap3A_40] : memref<2x800x128xf32, #tpu.memory_space<vmem>>, vector<1x800x128xf32>
    %swap3A_42 = vector.shape_cast %swap3A_41 : vector<1x800x128xf32> to vector<800x128xf32>
    %swap3A_43 = vector.shape_cast %slice3A : vector<800x128xf32> to vector<1x800x128xf32>
    tpu.vector_store %arg9[%swap3A, %swap3A_39, %swap3A_40], %swap3A_43 {strides = array<i32>} : memref<2x800x128xf32, #tpu.memory_space<vmem>>, vector<1x800x128xf32>,
    %slice3A_44 = vector.extract_strided_slice %add3A_38 {offsets = [0, 128], sizes = [800, 128], strides = [1, 1]} : vector<800x256xf32> to vector<800x128xf32>
    %swap3A_45 = arith.constant 1 : index
    %swap3A_46 = arith.constant 0 : index
    %swap3A_47 = arith.constant 0 : index
    %swap3A_48 = vector.load %arg9[%swap3A_45, %swap3A_46, %swap3A_47] : memref<2x800x128xf32, #tpu.memory_space<vmem>>, vector<1x800x128xf32>
    %swap3A_49 = vector.shape_cast %swap3A_48 : vector<1x800x128xf32> to vector<800x128xf32>
    %swap3A_50 = vector.shape_cast %slice3A_44 : vector<800x128xf32> to vector<1x800x128xf32>
    tpu.vector_store %arg9[%swap3A_45, %swap3A_46, %swap3A_47], %swap3A_50 {strides = array<i32>} : memref<2x800x128xf32, #tpu.memory_space<vmem>>, vector<1x800x128xf32>,
    return
  }
  func.func @transform_0(%arg0: i32) -> (i32, i32) {
    %c0_i32 = arith.constant 0 : i32
    %c0_i32_0 = arith.constant 0 : i32
    return %arg0, %c0_i32 : i32, i32
  }
  func.func @transform_1(%arg0: i32) -> (i32, i32) {
    %c0_i32 = arith.constant 0 : i32
    %c0_i32_0 = arith.constant 0 : i32
    return %arg0, %c0_i32 : i32, i32
  }
  func.func @transform_2(%arg0: i32) -> (i32, i32) {
    %c0_i32 = arith.constant 0 : i32
    %c0_i32_0 = arith.constant 0 : i32
    %c0_i32_1 = arith.constant 0 : i32
    return %c0_i32, %c0_i32_0 : i32, i32
  }
  func.func @transform_3(%arg0: i32) -> (i32, i32) {
    %c0_i32 = arith.constant 0 : i32
    %c0_i32_0 = arith.constant 0 : i32
    %c0_i32_1 = arith.constant 0 : i32
    return %c0_i32, %c0_i32_0 : i32, i32
  }
  func.func @transform_4(%arg0: i32) -> (i32, i32) {
    %c0_i32 = arith.constant 0 : i32
    %c0_i32_0 = arith.constant 0 : i32
    %c0_i32_1 = arith.constant 0 : i32
    return %c0_i32, %c0_i32_0 : i32, i32
  }
  func.func @transform_5(%arg0: i32) -> (i32, i32) {
    %c0_i32 = arith.constant 0 : i32
    %c0_i32_0 = arith.constant 0 : i32
    %c0_i32_1 = arith.constant 0 : i32
    return %c0_i32, %c0_i32_0 : i32, i32
  }
  func.func @transform_6(%arg0: i32) -> (i32, i32) {
    %c0_i32 = arith.constant 0 : i32
    %c0_i32_0 = arith.constant 0 : i32
    %c0_i32_1 = arith.constant 0 : i32
    return %c0_i32, %c0_i32_0 : i32, i32
  }
  func.func @transform_7(%arg0: i32) -> (i32, i32) {
    %c0_i32 = arith.constant 0 : i32
    %c0_i32_0 = arith.constant 0 : i32
    %c0_i32_1 = arith.constant 0 : i32
    return %c0_i32, %c0_i32_0 : i32, i32
  }
  func.func @transform_8(%arg0: i32) -> (i32, i32, i32) {
    %c0_i32 = arith.constant 0 : i32
    %c0_i32_0 = arith.constant 0 : i32
    %c0_i32_1 = arith.constant 0 : i32
    return %c0_i32, %arg0, %c0_i32_0 : i32, i32, i32
  }
}

module attributes {stable_mosaic.version = 14 : i64} {
  func.func @_node_mlp_body(%arg0: i32, %arg1: memref<1600x160xf32, #tpu.memory_space<vmem>>, %arg2: memref<2x1600x128xf32, #tpu.memory_space<vmem>>, %arg3: memref<160x512xf32, #tpu.memory_space<vmem>>, %arg4: memref<1x512xf32, #tpu.memory_space<vmem>>, %arg5: memref<128x512xf32, #tpu.memory_space<vmem>>, %arg6: memref<128x512xf32, #tpu.memory_space<vmem>>, %arg7: memref<512x256xf32, #tpu.memory_space<vmem>>, %arg8: memref<1x256xf32, #tpu.memory_space<vmem>>, %arg9: memref<256x160xf32, #tpu.memory_space<vmem>>, %arg10: memref<1x160xf32, #tpu.memory_space<vmem>>, %arg11: memref<1600x160xf32, #tpu.memory_space<vmem>>) attributes {dimension_semantics = [#tpu.dimension_semantics<arbitrary>], iteration_bounds = array<i64: 8>, scalar_prefetch = 0 : i64, scratch_operands = 0 : i64, tpu.core_type = #tpu.core_type<tc>, window_params = [{transform_indices = @transform_0, window_bounds = array<i64: 1600, 160>}, {transform_indices = @transform_1, window_bounds = array<i64: 2, 1600, 128>}, {pipeline_mode = #tpu.pipeline_mode<synchronous>, transform_indices = @transform_2, window_bounds = array<i64: 160, 512>}, {pipeline_mode = #tpu.pipeline_mode<synchronous>, transform_indices = @transform_3, window_bounds = array<i64: 1, 512>}, {pipeline_mode = #tpu.pipeline_mode<synchronous>, transform_indices = @transform_4, window_bounds = array<i64: 128, 512>}, {pipeline_mode = #tpu.pipeline_mode<synchronous>, transform_indices = @transform_5, window_bounds = array<i64: 128, 512>}, {pipeline_mode = #tpu.pipeline_mode<synchronous>, transform_indices = @transform_6, window_bounds = array<i64: 512, 256>}, {pipeline_mode = #tpu.pipeline_mode<synchronous>, transform_indices = @transform_7, window_bounds = array<i64: 1, 256>}, {pipeline_mode = #tpu.pipeline_mode<synchronous>, transform_indices = @transform_8, window_bounds = array<i64: 256, 160>}, {pipeline_mode = #tpu.pipeline_mode<synchronous>, transform_indices = @transform_9, window_bounds = array<i64: 1, 160>}, {transform_indices = @transform_10, window_bounds = array<i64: 1600, 160>}]} {
    %get3A = arith.constant 0 : index
    %get3A_0 = arith.constant 0 : index
    %get3A_1 = vector.load %arg1[%get3A, %get3A_0] : memref<1600x160xf32, #tpu.memory_space<vmem>>, vector<1600x160xf32>
    %get3A_2 = arith.constant 0 : index
    %get3A_3 = arith.constant 0 : index
    %get3A_4 = vector.load %arg3[%get3A_2, %get3A_3] : memref<160x512xf32, #tpu.memory_space<vmem>>, vector<160x512xf32>
    %dot_general3A = arith.constant dense<0.000000e+00> : vector<1600x512xf32>
    %dot_general3A_5 = tpu.matmul %get3A_1, %get3A_4, %dot_general3A {dimension_numbers = #tpu.dot_dimension_numbers<[1], [0], [0], [1], [0, 0, 1, 1], [], []>, transpose_lhs_hint = false} : vector<1600x160xf32>, vector<160x512xf32>, vector<1600x512xf32> -> vector<1600x512xf32>
    %get3A_6 = arith.constant 0 : index
    %get3A_7 = arith.constant 0 : index
    %get3A_8 = arith.constant 0 : index
    %get3A_9 = vector.load %arg2[%get3A_6, %get3A_7, %get3A_8] : memref<2x1600x128xf32, #tpu.memory_space<vmem>>, vector<1x1600x128xf32>
    %get3A_10 = vector.shape_cast %get3A_9 : vector<1x1600x128xf32> to vector<1600x128xf32>
    %get3A_11 = arith.constant 0 : index
    %get3A_12 = arith.constant 0 : index
    %get3A_13 = vector.load %arg5[%get3A_11, %get3A_12] : memref<128x512xf32, #tpu.memory_space<vmem>>, vector<128x512xf32>
    %dot_general3A_14 = arith.constant dense<0.000000e+00> : vector<1600x512xf32>
    %dot_general3A_15 = tpu.matmul %get3A_10, %get3A_13, %dot_general3A_14 {dimension_numbers = #tpu.dot_dimension_numbers<[1], [0], [0], [1], [0, 0, 1, 1], [], []>, transpose_lhs_hint = false} : vector<1600x128xf32>, vector<128x512xf32>, vector<1600x512xf32> -> vector<1600x512xf32>
    %add3A = arith.addf %dot_general3A_5, %dot_general3A_15 : vector<1600x512xf32>
    %get3A_16 = arith.constant 1 : index
    %get3A_17 = arith.constant 0 : index
    %get3A_18 = arith.constant 0 : index
    %get3A_19 = vector.load %arg2[%get3A_16, %get3A_17, %get3A_18] : memref<2x1600x128xf32, #tpu.memory_space<vmem>>, vector<1x1600x128xf32>
    %get3A_20 = vector.shape_cast %get3A_19 : vector<1x1600x128xf32> to vector<1600x128xf32>
    %get3A_21 = arith.constant 0 : index
    %get3A_22 = arith.constant 0 : index
    %get3A_23 = vector.load %arg6[%get3A_21, %get3A_22] : memref<128x512xf32, #tpu.memory_space<vmem>>, vector<128x512xf32>
    %dot_general3A_24 = arith.constant dense<0.000000e+00> : vector<1600x512xf32>
    %dot_general3A_25 = tpu.matmul %get3A_20, %get3A_23, %dot_general3A_24 {dimension_numbers = #tpu.dot_dimension_numbers<[1], [0], [0], [1], [0, 0, 1, 1], [], []>, transpose_lhs_hint = false} : vector<1600x128xf32>, vector<128x512xf32>, vector<1600x512xf32> -> vector<1600x512xf32>
    %add3A_26 = arith.addf %add3A, %dot_general3A_25 : vector<1600x512xf32>
    %get3A_27 = arith.constant 0 : index
    %get3A_28 = arith.constant 0 : index
    %get3A_29 = vector.load %arg4[%get3A_27, %get3A_28] : memref<1x512xf32, #tpu.memory_space<vmem>>, vector<1x512xf32>
    %add3A_30 = vector.broadcast %get3A_29 : vector<1x512xf32> to vector<1600x512xf32>
    %add3A_31 = arith.addf %add3A_26, %add3A_30 : vector<1600x512xf32>
    %max3A = arith.constant 0.000000e+00 : f32
    %max3A_32 = vector.broadcast %max3A : f32 to vector<1600x512xf32>
    %max3A_33 = arith.maximumf %add3A_31, %max3A_32 : vector<1600x512xf32>
    %get3A_34 = arith.constant 0 : index
    %get3A_35 = arith.constant 0 : index
    %get3A_36 = vector.load %arg7[%get3A_34, %get3A_35] : memref<512x256xf32, #tpu.memory_space<vmem>>, vector<512x256xf32>
    %dot_general3A_37 = arith.constant dense<0.000000e+00> : vector<1600x256xf32>
    %dot_general3A_38 = tpu.matmul %max3A_33, %get3A_36, %dot_general3A_37 {dimension_numbers = #tpu.dot_dimension_numbers<[1], [0], [0], [1], [0, 0, 1, 1], [], []>, transpose_lhs_hint = false} : vector<1600x512xf32>, vector<512x256xf32>, vector<1600x256xf32> -> vector<1600x256xf32>
    %get3A_39 = arith.constant 0 : index
    %get3A_40 = arith.constant 0 : index
    %get3A_41 = vector.load %arg8[%get3A_39, %get3A_40] : memref<1x256xf32, #tpu.memory_space<vmem>>, vector<1x256xf32>
    %add3A_42 = vector.broadcast %get3A_41 : vector<1x256xf32> to vector<1600x256xf32>
    %add3A_43 = arith.addf %dot_general3A_38, %add3A_42 : vector<1600x256xf32>
    %max3A_44 = arith.constant 0.000000e+00 : f32
    %max3A_45 = vector.broadcast %max3A_44 : f32 to vector<1600x256xf32>
    %max3A_46 = arith.maximumf %add3A_43, %max3A_45 : vector<1600x256xf32>
    %get3A_47 = arith.constant 0 : index
    %get3A_48 = arith.constant 0 : index
    %get3A_49 = vector.load %arg9[%get3A_47, %get3A_48] : memref<256x160xf32, #tpu.memory_space<vmem>>, vector<256x160xf32>
    %dot_general3A_50 = arith.constant dense<0.000000e+00> : vector<1600x160xf32>
    %dot_general3A_51 = tpu.matmul %max3A_46, %get3A_49, %dot_general3A_50 {dimension_numbers = #tpu.dot_dimension_numbers<[1], [0], [0], [1], [0, 0, 1, 1], [], []>, transpose_lhs_hint = false} : vector<1600x256xf32>, vector<256x160xf32>, vector<1600x160xf32> -> vector<1600x160xf32>
    %get3A_52 = arith.constant 0 : index
    %get3A_53 = arith.constant 0 : index
    %get3A_54 = vector.load %arg10[%get3A_52, %get3A_53] : memref<1x160xf32, #tpu.memory_space<vmem>>, vector<1x160xf32>
    %add3A_55 = vector.broadcast %get3A_54 : vector<1x160xf32> to vector<1600x160xf32>
    %add3A_56 = arith.addf %dot_general3A_51, %add3A_55 : vector<1600x160xf32>
    %swap3A = arith.constant 0 : index
    %swap3A_57 = arith.constant 0 : index
    %swap3A_58 = vector.load %arg11[%swap3A, %swap3A_57] : memref<1600x160xf32, #tpu.memory_space<vmem>>, vector<1600x160xf32>
    tpu.vector_store %arg11[%swap3A, %swap3A_57], %add3A_56 {strides = array<i32>} : memref<1600x160xf32, #tpu.memory_space<vmem>>, vector<1600x160xf32>,
    return
  }
  func.func @transform_0(%arg0: i32) -> (i32, i32) {
    %c0_i32 = arith.constant 0 : i32
    %c0_i32_0 = arith.constant 0 : i32
    return %arg0, %c0_i32 : i32, i32
  }
  func.func @transform_1(%arg0: i32) -> (i32, i32, i32) {
    %c0_i32 = arith.constant 0 : i32
    %c0_i32_0 = arith.constant 0 : i32
    %c0_i32_1 = arith.constant 0 : i32
    return %c0_i32, %arg0, %c0_i32_0 : i32, i32, i32
  }
  func.func @transform_2(%arg0: i32) -> (i32, i32) {
    %c0_i32 = arith.constant 0 : i32
    %c0_i32_0 = arith.constant 0 : i32
    %c0_i32_1 = arith.constant 0 : i32
    return %c0_i32, %c0_i32_0 : i32, i32
  }
  func.func @transform_3(%arg0: i32) -> (i32, i32) {
    %c0_i32 = arith.constant 0 : i32
    %c0_i32_0 = arith.constant 0 : i32
    %c0_i32_1 = arith.constant 0 : i32
    return %c0_i32, %c0_i32_0 : i32, i32
  }
  func.func @transform_4(%arg0: i32) -> (i32, i32) {
    %c0_i32 = arith.constant 0 : i32
    %c0_i32_0 = arith.constant 0 : i32
    %c0_i32_1 = arith.constant 0 : i32
    return %c0_i32, %c0_i32_0 : i32, i32
  }
  func.func @transform_5(%arg0: i32) -> (i32, i32) {
    %c0_i32 = arith.constant 0 : i32
    %c0_i32_0 = arith.constant 0 : i32
    %c0_i32_1 = arith.constant 0 : i32
    return %c0_i32, %c0_i32_0 : i32, i32
  }
  func.func @transform_6(%arg0: i32) -> (i32, i32) {
    %c0_i32 = arith.constant 0 : i32
    %c0_i32_0 = arith.constant 0 : i32
    %c0_i32_1 = arith.constant 0 : i32
    return %c0_i32, %c0_i32_0 : i32, i32
  }
  func.func @transform_7(%arg0: i32) -> (i32, i32) {
    %c0_i32 = arith.constant 0 : i32
    %c0_i32_0 = arith.constant 0 : i32
    %c0_i32_1 = arith.constant 0 : i32
    return %c0_i32, %c0_i32_0 : i32, i32
  }
  func.func @transform_8(%arg0: i32) -> (i32, i32) {
    %c0_i32 = arith.constant 0 : i32
    %c0_i32_0 = arith.constant 0 : i32
    %c0_i32_1 = arith.constant 0 : i32
    return %c0_i32, %c0_i32_0 : i32, i32
  }
  func.func @transform_9(%arg0: i32) -> (i32, i32) {
    %c0_i32 = arith.constant 0 : i32
    %c0_i32_0 = arith.constant 0 : i32
    %c0_i32_1 = arith.constant 0 : i32
    return %c0_i32, %c0_i32_0 : i32, i32
  }
  func.func @transform_10(%arg0: i32) -> (i32, i32) {
    %c0_i32 = arith.constant 0 : i32
    %c0_i32_0 = arith.constant 0 : i32
    return %arg0, %c0_i32 : i32, i32
  }
}

</mosaic_0001>

<sc_bundles>
// kernel: kernel.10.cloned.1.call-start
scs
__scs_entry_jumppad:
0x0: {  	(pc) =	sbr.rel $0x88, $3  }
0x1: {  	(tag) =	ssettag $0x0;
	lr =	simm.s32 $0x1  }
0x2: {  	[smem:$0x3F91] =	sst lr;
	_ =	strace $0xD0000000  }
0x3: {  	_ = 	snop  }
0x4: {  	_ = 	snop  }
0x5: {  	_ = 	snop  }
0x6: {  	_ = 	snop  }
0x7: {  	_ = 	snop  }
__scs_overlays_trampoline_lowered:
0x8: {  	[smem:$0x3FA0] =	sst s0  }
0x9: {  	[smem:$0x3FA1] =	sst s1  }
0xa: {  	[smem:$0x3FA2] =	sst s2  }
0xb: {  	[smem:$0x3FA3] =	sst s3  }
0xc: {  	[smem:$0x3FA4] =	sst s4  }
0xd: {  	[smem:$0x3FA5] =	sst s5  }
0xe: {  	[smem:$0x3FA6] =	sst s6  }
0xf: {  	[smem:$0x3FA7] =	sst s7  }
0x10: {  	[smem:$0x3FA8] =	sst s8  }
0x11: {  	[smem:$0x3FA9] =	sst s9;
	s0 =	simm.s32 @!p0 $0x0  }
0x12: {  	s1 =	sld [smem:$0x3F8F];
	s0 =	simm.s32 @p0 $0x1  }
0x13: {  	[smem:$0x3FAA] =	sst s0;
	s0 =	simm.s32 @!p1 $0x0  }
0x14: {  	s2 =	sld [smem:$0x3F8E];
	s0 =	simm.s32 @p1 $0x1  }
0x15: {  	[smem:$0x3FAB] =	sst s0;
	s0 =	simm.s32 @!p2 $0x0  }
0x16: {  	s3 =	sld [smem:$0x3FDB];
	s0 =	simm.s32 @p2 $0x1  }
0x17: {  	s4 =	simm.s32 $0x1BF5;
	[smem:$0x3FAD] =	sst s0  }
0x18: {  	s0 =	sld [smem:$0x3F90];
	_ =	swait.ge [sflag:s4], $0x0  }
0x19: {  	s7 =	sld [smem:$0x3F91]  }
0x1a: {  	s8 =	sadd.s32 $0xFFFFE003, lr  }
0x1b: {  	s9 =	sadd.s32 $0xFFFFFEF7, lr;
	s5 =	simm.s32 $0xFFFFFFFF;
	p2 =	slt.u32 s8, $0xFFFFF086  }
0x1c: {  	p1 =	slt.u32 s9, $0xF7A;
	s5 =	simm.s32 @!p2 $0x0  }
0x1d: {  	s5 =	simm.s32 @p1 $0x1;
	p0 =	seq.s32 s7, s2  }
0x1e: {  	s7 =	smul.u32 @!p0 $0xF7A, s2;
	p2 =	seq.s32 @!p0 s5, $0x0  }
0x1f: {  	s9 =	smul.u32 $0xF7A, s1;
	s8 =	simm.s32 @!p0 $0x1BF5;
	p2 =	por !p2, p0  }
0x20: {  	[sflag:s8] =	ssyncset.s32 @!p0 $0xFFFFF086;
	s6 =	sadd.s32 @!p0 s3, s7;
	s7 =	simm.s32 @!p0 $0x108  }
0x21: {  	s3 =	sadd.s32 s3, s9;
	s6 =	sadd.s32 @!p0 $0x88, s6;
	s7 =	simm.s32 @p2 $0x1082  }
0x22: {  	[simem:s7], [sflag:s8] =	dma.local @!p0 [hbm:s6], $0xF7A  }
0x23: {  	s9 =	sor.u32 $0xD0000000, s2;
	s6 =	simm.s32 $0x108;
	_ =	swait.ge @!p0 [sflag:s8], $0x0  }
0x24: {  	s3 =	sadd.s32 $0x88, s3;
	s6 =	simm.s32 @!p1 $0x1082;
	[sflag:s4] =	ssyncset.s32 $0xFFFFF086  }
0x25: {  	[simem:s6], [sflag:s4] =	dma.local [hbm:s3], $0xF7A  }
0x26: {  	[smem:$0x3F91] =	sst s1;
	(tag) =	ssettag s2;
	_ =	strace s9  }
0x27: {  	s1 =	sld [smem:$0x3FA1]  }
0x28: {  	s2 =	sld [smem:$0x3FA2]  }
0x29: {  	s4 =	sld [smem:$0x3FA4]  }
0x2a: {  	p0 =	seq.s32 s5, $0x0;
	s5 =	sld [smem:$0x3FA5]  }
0x2b: {  	s6 =	sld [smem:$0x3FA6]  }
0x2c: {  	s7 =	sld [smem:$0x3FA7]  }
0x2d: {  	s3 =	simm.s32 $0x108;
	s8 =	sld [smem:$0x3FA8]  }
0x2e: {  	s3 =	simm.s32 @!p0 $0x1082;
	s9 =	sld [smem:$0x3FA9]  }
0x2f: {  	lr =	sadd.s32 s0, s3;
	s0 =	sld [smem:$0x3FA0]  }
0x30: {  	s3 =	sld [smem:$0x3FA3]  }
0x31: {  	[smem:$0x3FAC] =	sst s10  }
0x32: {  	s10 =	sld [smem:$0x3FAA];
	_ =	sdelay $0x3  }
0x33: {  	p0 =	seq.s32 s10, $0x1;
	s10 =	sld [smem:$0x3FAC];
	_ =	sdelay $0x3  }
0x34: {  	[smem:$0x3FAC] =	sst s10  }
0x35: {  	s10 =	sld [smem:$0x3FAB];
	_ =	sdelay $0x3  }
0x36: {  	p1 =	seq.s32 s10, $0x1;
	s10 =	sld [smem:$0x3FAC];
	_ =	sdelay $0x3  }
0x37: {  	[smem:$0x3FAC] =	sst s10  }
0x38: {  	s10 =	sld [smem:$0x3FAD]  }
0x39: {  	_ = 	snop;
	(pc) =	sbr.ind lr, $3  }
0x3a: {  	_ = 	snop  }
0x3b: {  	_ = 	snop  }
0x3c: {  	p2 =	seq.s32 s10, $0x1;
	s10 =	sld [smem:$0x3FAC]  }
0x3d: {  	_ =	shalt  }
0x3e: {  	_ =	shalt  }
0x3f: {  	_ =	shalt  }
0x40: {  	_ =	shalt  }
0x41: {  	_ =	shalt  }
0x42: {  	_ =	shalt  }
0x43: {  	_ =	shalt  }
0x44: {  	_ =	shalt  }
0x45: {  	_ =	shalt  }
0x46: {  	_ =	shalt  }
0x47: {  	_ =	shalt  }
0x48: {  	_ =	shalt  }
0x49: {  	_ =	shalt  }
0x4a: {  	_ =	shalt  }
0x4b: {  	_ =	shalt  }
0x4c: {  	_ =	shalt  }
0x4d: {  	_ =	shalt  }
0x4e: {  	_ =	shalt  }
0x4f: {  	_ =	shalt  }
0x50: {  	_ =	shalt  }
0x51: {  	_ =	shalt  }
0x52: {  	_ =	shalt  }
0x53: {  	_ =	shalt  }
0x54: {  	_ =	shalt  }
0x55: {  	_ =	shalt  }
0x56: {  	_ =	shalt  }
0x57: {  	_ =	shalt  }
0x58: {  	_ =	shalt  }
0x59: {  	_ =	shalt  }
0x5a: {  	_ =	shalt  }
0x5b: {  	_ =	shalt  }
0x5c: {  	_ =	shalt  }
0x5d: {  	_ =	shalt  }
0x5e: {  	_ =	shalt  }
0x5f: {  	_ =	shalt  }
0x60: {  	_ =	shalt  }
0x61: {  	_ =	shalt  }
0x62: {  	_ =	shalt  }
0x63: {  	_ =	shalt  }
0x64: {  	_ =	shalt  }
0x65: {  	_ =	shalt  }
0x66: {  	_ =	shalt  }
0x67: {  	_ =	shalt  }
0x68: {  	_ =	shalt  }
0x69: {  	_ =	shalt  }
0x6a: {  	_ =	shalt  }
0x6b: {  	_ =	shalt  }
0x6c: {  	_ =	shalt  }
0x6d: {  	_ =	shalt  }
0x6e: {  	_ =	shalt  }
0x6f: {  	_ =	shalt  }
0x70: {  	_ =	shalt  }
0x71: {  	_ =	shalt  }
0x72: {  	_ =	shalt  }
0x73: {  	_ =	shalt  }
0x74: {  	_ =	shalt  }
0x75: {  	_ =	shalt  }
0x76: {  	_ =	shalt  }
0x77: {  	_ =	shalt  }
0x78: {  	_ =	shalt  }
0x79: {  	_ =	shalt  }
0x7a: {  	_ =	shalt  }
0x7b: {  	_ =	shalt  }
0x7c: {  	_ =	shalt  }
0x7d: {  	_ =	shalt  }
0x7e: {  	_ =	shalt  }
0x7f: {  	_ =	shalt  }
0x80: {  	_ =	shalt  }
0x81: {  	_ =	shalt  }
0x82: {  	_ =	shalt  }
0x83: {  	_ =	shalt  }
0x84: {  	_ =	shalt  }
0x85: {  	_ =	shalt  }
0x86: {  	_ =	shalt  }
0x87: {  	_ =	shalt  }
.Lfunc_end0:
.L_simem_size_0:
called_computation.1_lowered:
.L_overlay_start_0:
0x88: {  	s2 =	sld [smem:$0x3FD9]  }
0x89: {  	s3 =	sld [smem:$0x3FFE];
	_ =	sdelay $0x1  }
0x8a: {  	s1 =	srdreg.scid  }
0x8b: {  	s0 =	sand.u32 $0x1, s1  }
0x8c: {  	s17 =	sshll.u32 s0, $0xA;
	s2 =	sadd.s32 s3, s2  }
0x8d: {  	s2 =	sadd.s32 s2, s17  }
0x8e: {  	[smem:$0x3FB8] =	sst s2  }
0x8f: {  	_ = 	snop  }
0x90: {  	s2 =	sld [smem:$0x3FC6]  }
0x91: {  	s18 =	sld [smem:$0x3FD0];
	(tm) =	ssettm $0x1  }
0x92: {  	s4 =	sld [smem:$0x3FFB];
	_ =	sdelay $0x3  }
0x93: {  	_ =	strace s4  }
0x94: {  	s4 =	sld [smem:$0x3FFC];
	_ =	sdelay $0x3  }
0x95: {  	_ =	strace s4  }
0x96: {  	s4 =	sld [smem:$0x3FFD];
	_ =	sdelay $0x3  }
0x97: {  	_ =	strace s4  }
0x98: {  	_ =	strace $0x8FFFFFFF  }
0x99: {  	s19 =	sld [smem:$0x3FDB];
	_ =	sdelay $0x1  }
0x9a: {  	s5 =	simm.s32 $_scs_section_size  }
0x9b: {  	s6 =	simm.s32 $_size__tile_overlayer_lowered;
	s7 =	simm.s32 $_tile_overlayer_lowered  }
0x9c: {  	s22 =	simm.s32 $0x1BFF;
	s21 =	sshll.u32 s7, $0x1;
	s4 =	sadd.s32 s5, s19  }
0x9d: {  	s8 =	simm.s32 $0x0;
	s20 =	sshll.u32 s6, $0x1;
	s6 =	sadd.s32 s21, s4  }
0x9e: {  	[timem:s8], [sflag:s22] =	dma.local [hbm:s6], s20  }
0x9f: {  	_ =	swait.ge [sflag:s22], s20  }
0xa0: {  	s5 =	ssub.s32 $0x0, s20;
	[sflag:s22] =	ssyncset.done $0x0  }
0xa1: {  	[sflag:s22] =	ssyncadd.s32 s5;
	_ =	sdelay $0x1  }
0xa2: {  	s23 =	simm.s32 $0x1B8B  }
0xa3: {  	_ =	swait.ge [sflag:s23], $0x1  }
0xa4: {  	[sflag:s23] =	ssyncset.done $0x0  }
0xa5: {  	s25 =	simm.s32 $0x1B8E;
	s24 =	sld [smem:$0x3FFE];
	[sflag:s23] =	ssyncadd.s32 $0xFFFFFFFF  }
0xa6: {  	s26 =	simm.s32 $execute0_lowered;
	[smem:$0x3FD2] =	sst s25  }
0xa7: {  	s6 =	sshll.u32 s26, $0x1;
	_ =	strace $0x80000049;
	[dreg:$0x1] =	wrdreg $0xFFFFFFFF  }
0xa8: {  	s28 =	simm.s32 $_size_execute0_lowered;
	s4 =	sadd.s32 s4, s6;
	[dreg:$0x0] =	wrdreg $0x0  }
0xa9: {  	s6 =	sshll.u32 s28, $0x1;
	[dreg:$0x2] =	wrdreg s4  }
0xaa: {  	[dreg:$0x3] =	wrdreg s6  }
0xab: {  	[dreg:$0x4] =	wrdreg $0xC0  }
0xac: {  	_ =	task [dreg:s8], $0x5FFFF  }
0xad: {  	[dreg:$0x1] =	wrdreg $0xFFFFFFFF  }
0xae: {  	[dreg:$0x0] =	wrdreg $0x60  }
0xaf: {  	[dreg:$0x2] =	wrdreg s24  }
0xb0: {  	[dreg:$0x3] =	wrdreg s2  }
0xb1: {  	[dreg:$0x4] =	wrdreg s18  }
0xb2: {  	[dreg:$0x5] =	wrdreg $0x38400  }
0xb3: {  	[dreg:$0x6] =	wrdreg $0x9  }
0xb4: {  	_ =	task.clear_ibuf [dreg:s8], $0x7FFFF;
	_ =	strace $0x90000049  }
0xb5: {  	s29 =	simm.s32 $0x9;
	_ =	strace $0x8000004B  }
0xb6: {  	_ =	swait.ge [sflag:s29], $0x1  }
0xb7: {  	[sflag:s29] =	ssyncadd.s32 $0xFFFFFFFF  }
0xb8: {  	_ =	strace $0x9000004B  }
0xb9: {  	_ =	sfence  }
0xba: {  	s30 =	sld [smem:$0x0];
	_ =	sdelay $0x2  }
0xbb: {  	s31 =	sshll.u32 s1, $0xD;
	s1 =	sshrl.u32 s1, $0x2  }
0xbc: {  	s3 =	sand.u32 $0x4000, s31;
	s1 =	sadd.s32 s1, s30  }
0xbd: {  	s0 =	sor.u32 s3, s0;
	s1 =	sshll.u32 s1, $0x11  }
0xbe: {  	s0 =	sor.u32 s1, s0  }
0xbf: {  	s0 =	sadd.s32 $0x8F2B, s0  }
0xc0: {  	[sflag:s0] =	ssyncadd.remote.s32 $0x1  }
0xc1: {  	_ =	sfence.sel $0xFFFF  }
0xc2: {  	[dreg:$0x0] =	wrdreg $0xFFFFFFFF;
	(pc) =	sbr.abs _section_cstart, $3  }
0xc3: {  	[dreg:$0x1] =	wrdreg $0xFFFFFFFF  }
0xc4: {  	_ =	task.clear_ibuf [dreg:s8], $0x2FFFF;
	_ =	strace $0x9FFFFFFF  }
0xc5: {  	(tm) =	ssettm $0x7FFFFFFF  }
tec
execute0_lowered:
.L_overlay_start_1:
0x0: {  	(tag) =	ssettag $0x1  }
0x1: {  	s6 =	rddreg [dreg:$0x0]  }
0x2: {  	s1 =	rddreg [dreg:$0x1]  }
0x3: {  	s7 =	rddreg [dreg:$0x2]  }
0x4: {  	s2 =	srdreg.scid;
	s0 =	stileid.u32  }
0x5: {  	s3 =	rddreg [dreg:$0x3];
	s4 =	simm.s32 $0x0;
	s14 =	simm.s32 $0x320  }
0x6: {  	s15 =	simm.s32 $0x640;
	s8 =	sand.u32 $0x1, s2;
	s2 =	rddreg [dreg:$0x4]  }
0x7: {  	s16 =	simm.s32 $0x1;
	s9 =	smul.u32 $0x186A0, s0;
	[smem:$0x7FF] =	sst s4  }
0x8: {  	s31 =	sshll.u32 s0, $0x6;
	s5 =	smul.u32 $0x186A00, s8;
	_ =	strace $0x8000004A  }
0x9: {  	s11 =	ssub.s32 $0x2, s8;
	s12 =	smul.u32 $0x30D400, s8;
	s8 =	sor.u32 $0x1C02, s31  }
0xa: {  	s29 =	sshrl.u32 s11, $0x1;
	s30 =	sshrl.u32 s9, $0x3;
	s10 =	sadd.s32 s9, s5  }
0xb: {  	s13 =	sadd.s32 s9, s3;
	s5 =	sadd.s32 $0x362F400, s6;
	s10 =	sshrl.u32 s10, $0x3  }
0xc: {  	s11 =	ssub.s32 s11, s29;
	s10 =	sadd.s32 s10, s6;
	s6 =	smul.u32 $0x30D40, s0  }
0xd: {  	s7 =	sadd.s32 s7, s30;
	s11 =	smax.u32 s11, $0x1;
	s10 =	sadd.s32 $0x18AA00, s10  }
0xe: {  	v0 =	vlaneseq.u32;
	s9 =	sadd.s32 s6, s12;
	s12 =	sshrl.u32 s13, $0x3;
	s13 =	simm.s32 $0x2  }
.LBB2_1:
0xf: {  	[spmem:s12], [sflag:s8] =	dma.local [hbm:s7], $0x30D4  }
0x10: {  	_ =	swait.ge [sflag:s13], $0x30D4  }
0x11: {  	s17 =	simm.s32 $0x40;
	[sflag:s13] =	ssyncset.done $0x0  }
0x12: {  	v1 =	vor.u32 s9, v0;
	s19 =	simm.s32 $0x0;
	s18 =	smov.u32 s9;
	[sflag:s13] =	ssyncadd.s32 $0xFFFFCF2C  }
.LBB2_2:
0x13: {  	p0 =	sne.s32 s17, $0xC40  }
0x14: {  	[tilespmem:s19+$0x0] =	vst v1;
	s18 =	sadd.s32 $0x10, s18;
	s19 =	smov.u32 s17;
	s17 =	sadd.s32 $0x40, s17  }
.Ltmp0:
0x15: {  	(pc) =	sbr.rel @p0 .LBB2_2-.Ltmp0, $2  }
0x16: {  	_ =	sdelay $0x2  }
0x17: {  	v1 =	vor.u32 s18, v0;
	s19 =	sshra.s32 s19, $0x2  }
0x18: {  	[tilespmem:s19+$0x0] =	vst v1  }
0x19: {  	s17 =	simm.s32 $0x0;
	s18 =	simm.s32 $0x0;
	[bflag:$0x0] =	sbarrier.arrive $0xFFFF  }
.LBB2_4:
0x1a: {  	s19 =	smul.u32 $0x320, s18;
	_ =	sdelay $0x1  }
0x1b: {  	s19 =	sadd.s32 s19, s6  }
0x1c: {  	s19 =	sshrl.u32 s19, $0x3  }
0x1d: {  	s19 =	sadd.s32 s1, s19  }
0x1e: {  	[tilespmem:s14], [sflag:$0x2] =	stream.linear.gather [hbm4b:s19+s17], $0x320, $0x38;
	[tilespmem:$0x1BEE0] =	vst v63  }
0x1f: {  	_ =	swait.ge [sflag:s13], $0x320  }
0x20: {  	[sflag:s13] =	ssyncset.done $0x0  }
0x21: {  	[sflag:s13] =	ssyncadd.s32 $0xFFFFFCE0  }
0x22: {  	[tilespmem:s15], [sflag:$0x1] =	stream.indirect.gather [hbm4b:s5+s14], $0x10, s17, s14, $0xb8;
	[tilespmem:$0x1BEE0] =	vst v63  }
0x23: {  	_ =	swait.ge [sflag:s16], $0x3200  }
0x24: {  	[sflag:s16] =	ssyncset.done $0x0  }
0x25: {  	[sflag:s16] =	ssyncadd.s32 $0xFFFFCE00  }
0x26: {  	[spmem:s3] =	stream.indirect.scatter.add.f32 [tilespmem:s15], [sflag:$0x2], $0x10, s14, s14, $0xb8;
	[tilespmem:$0x1BEE0] =	vst v63  }
0x27: {  	_ =	swait.ge [sflag:s13], $0x3200  }
0x28: {  	[sflag:s13] =	ssyncset.done $0x0  }
0x29: {  	s20 =	simm.s32 $0x40;
	s19 =	simm.s32 $0x0;
	[sflag:s13] =	ssyncadd.s32 $0xFFFFCE00  }
.LBB2_5:
0x2a: {  	p0 =	sne.s32 s20, $0xC40;
	v1 =	vld [tilespmem:s19+$0x0];
	_ =	sdelay $0x1  }
.Ltmp1:
0x2b: {  	(pc) =	sbr.rel @p0 .LBB2_5-.Ltmp1, $3  }
0x2c: {  	_ =	sdelay $0x1  }
0x2d: {  	v1 =	vadd.s32 $0x320, v1  }
0x2e: {  	[tilespmem:s19+$0x0] =	vst v1;
	s19 =	sshra.s32 s20, $0x2;
	s20 =	sadd.s32 $0x40, s20  }
0x2f: {  	v1 =	vld [tilespmem:s19+$0x0];
	s18 =	sadd.s32 $0x1, s18  }
0x30: {  	p0 =	sne.s32 s18, $0xFA  }
.Ltmp2:
0x31: {  	_ = 	snop;
	(pc) =	sbr.rel @p0 .LBB2_4-.Ltmp2, $3  }
0x32: {  	_ =	sdelay $0x1  }
0x33: {  	v1 =	vadd.s32 $0x320, v1  }
0x34: {  	[tilespmem:s19+$0x0] =	vst v1  }
0x35: {  	s4 =	sadd.s32 $0x1, s4  }
0x36: {  	p0 =	sne.s32 s4, s11  }
.Ltmp3:
0x37: {  	[bflag:$0x0] =	sbarrier.arrive $0xFFFF;
	(pc) =	sbr.rel @p0 .LBB2_1-.Ltmp3, $4  }
0x38: {  	[hbm:s10], [sflag:s8] =	dma.local [spmem:s12], $0x30D4  }
0x39: {  	_ =	swait.ge [sflag:s13], $0x30D4  }
0x3a: {  	[sflag:s13] =	ssyncset.done $0x0  }
0x3b: {  	[sflag:s13] =	ssyncadd.s32 $0xFFFFCF2C  }
0x3c: {  	_ =	sfence.sel $0x180000  }
0x3d: {  	[bflag:$0x0] =	sbarrier.arrive $0xFFFF  }
0x3e: {  	p0 =	sne.s32 s0, $0x0;
	_ =	strace $0x9000004A  }
0x3f: {  	s0 =	sadd.s32 @!p0 $0x100000, s2;
	[bflag:$0x2] =	sbarrier.arrive $0xFFFF  }
0x40: {  	[sflag:s0] =	ssyncadd.tile.s32 @!p0 $0x1;
	_ =	shalt  }
.Lfunc_end2:
_tile_overlayer_lowered:
.L_overlay_start_2:
0x41: {  	(tag) =	ssettag $0x2  }
0x42: {  	s0 =	rddreg [dreg:$0x0];
	s2 =	stileid.u32  }
0x43: {  	s1 =	rddreg [dreg:$0x1];
	p0 =	sne.s32 s2, $0x0  }
0x44: {  	s3 =	rddreg [dreg:$0x2];
	[bflag:$0x3] =	sbarrier.arrive $0xFFFF;
	s2 =	simm.s32 @!p0 $0x1C02  }
0x45: {  	[timem:s3], [sflag:s2] =	dma.local @!p0 [hbm:s0], s1  }
0x46: {  	s0 =	simm.s32 @!p0 $0x2  }
0x47: {  	_ =	swait.ge @!p0 [sflag:s0], s1  }
0x48: {  	s1 =	ssub.s32 @!p0 $0x0, s1;
	[sflag:s0] =	ssyncset.done @!p0 $0x0  }
0x49: {  	[sflag:s0] =	ssyncadd.s32 @!p0 s1  }
0x4a: {  	[bflag:$0x3] =	sbarrier.arrive $0xFFFF  }
0x4b: {  	_ =	shalt  }

// kernel: kernel.7.cloned.1.call-start
scs
__scs_entry_jumppad:
0x0: {  	(pc) =	sbr.rel $0x88, $3  }
0x1: {  	(tag) =	ssettag $0x0;
	lr =	simm.s32 $0x1  }
0x2: {  	[smem:$0x3F91] =	sst lr;
	_ =	strace $0xD0000000  }
0x3: {  	_ = 	snop  }
0x4: {  	_ = 	snop  }
0x5: {  	_ = 	snop  }
0x6: {  	_ = 	snop  }
0x7: {  	_ = 	snop  }
__scs_overlays_trampoline_lowered:
0x8: {  	[smem:$0x3FA0] =	sst s0  }
0x9: {  	[smem:$0x3FA1] =	sst s1  }
0xa: {  	[smem:$0x3FA2] =	sst s2  }
0xb: {  	[smem:$0x3FA3] =	sst s3  }
0xc: {  	[smem:$0x3FA4] =	sst s4  }
0xd: {  	[smem:$0x3FA5] =	sst s5  }
0xe: {  	[smem:$0x3FA6] =	sst s6  }
0xf: {  	[smem:$0x3FA7] =	sst s7  }
0x10: {  	[smem:$0x3FA8] =	sst s8  }
0x11: {  	[smem:$0x3FA9] =	sst s9;
	s0 =	simm.s32 @!p0 $0x0  }
0x12: {  	s1 =	sld [smem:$0x3F8F];
	s0 =	simm.s32 @p0 $0x1  }
0x13: {  	[smem:$0x3FAA] =	sst s0;
	s0 =	simm.s32 @!p1 $0x0  }
0x14: {  	s2 =	sld [smem:$0x3F8E];
	s0 =	simm.s32 @p1 $0x1  }
0x15: {  	[smem:$0x3FAB] =	sst s0;
	s0 =	simm.s32 @!p2 $0x0  }
0x16: {  	s3 =	sld [smem:$0x3FDB];
	s0 =	simm.s32 @p2 $0x1  }
0x17: {  	s4 =	simm.s32 $0x1BF5;
	[smem:$0x3FAD] =	sst s0  }
0x18: {  	s0 =	sld [smem:$0x3F90];
	_ =	swait.ge [sflag:s4], $0x0  }
0x19: {  	s7 =	sld [smem:$0x3F91]  }
0x1a: {  	s8 =	sadd.s32 $0xFFFFE003, lr  }
0x1b: {  	s9 =	sadd.s32 $0xFFFFFEF7, lr;
	s5 =	simm.s32 $0xFFFFFFFF;
	p2 =	slt.u32 s8, $0xFFFFF086  }
0x1c: {  	p1 =	slt.u32 s9, $0xF7A;
	s5 =	simm.s32 @!p2 $0x0  }
0x1d: {  	s5 =	simm.s32 @p1 $0x1;
	p0 =	seq.s32 s7, s2  }
0x1e: {  	s7 =	smul.u32 @!p0 $0xF7A, s2;
	p2 =	seq.s32 @!p0 s5, $0x0  }
0x1f: {  	s9 =	smul.u32 $0xF7A, s1;
	s8 =	simm.s32 @!p0 $0x1BF5;
	p2 =	por !p2, p0  }
0x20: {  	[sflag:s8] =	ssyncset.s32 @!p0 $0xFFFFF086;
	s6 =	sadd.s32 @!p0 s3, s7;
	s7 =	simm.s32 @!p0 $0x108  }
0x21: {  	s3 =	sadd.s32 s3, s9;
	s6 =	sadd.s32 @!p0 $0x88, s6;
	s7 =	simm.s32 @p2 $0x1082  }
0x22: {  	[simem:s7], [sflag:s8] =	dma.local @!p0 [hbm:s6], $0xF7A  }
0x23: {  	s9 =	sor.u32 $0xD0000000, s2;
	s6 =	simm.s32 $0x108;
	_ =	swait.ge @!p0 [sflag:s8], $0x0  }
0x24: {  	s3 =	sadd.s32 $0x88, s3;
	s6 =	simm.s32 @!p1 $0x1082;
	[sflag:s4] =	ssyncset.s32 $0xFFFFF086  }
0x25: {  	[simem:s6], [sflag:s4] =	dma.local [hbm:s3], $0xF7A  }
0x26: {  	[smem:$0x3F91] =	sst s1;
	(tag) =	ssettag s2;
	_ =	strace s9  }
0x27: {  	s1 =	sld [smem:$0x3FA1]  }
0x28: {  	s2 =	sld [smem:$0x3FA2]  }
0x29: {  	s4 =	sld [smem:$0x3FA4]  }
0x2a: {  	p0 =	seq.s32 s5, $0x0;
	s5 =	sld [smem:$0x3FA5]  }
0x2b: {  	s6 =	sld [smem:$0x3FA6]  }
0x2c: {  	s7 =	sld [smem:$0x3FA7]  }
0x2d: {  	s3 =	simm.s32 $0x108;
	s8 =	sld [smem:$0x3FA8]  }
0x2e: {  	s3 =	simm.s32 @!p0 $0x1082;
	s9 =	sld [smem:$0x3FA9]  }
0x2f: {  	lr =	sadd.s32 s0, s3;
	s0 =	sld [smem:$0x3FA0]  }
0x30: {  	s3 =	sld [smem:$0x3FA3]  }
0x31: {  	[smem:$0x3FAC] =	sst s10  }
0x32: {  	s10 =	sld [smem:$0x3FAA];
	_ =	sdelay $0x3  }
0x33: {  	p0 =	seq.s32 s10, $0x1;
	s10 =	sld [smem:$0x3FAC];
	_ =	sdelay $0x3  }
0x34: {  	[smem:$0x3FAC] =	sst s10  }
0x35: {  	s10 =	sld [smem:$0x3FAB];
	_ =	sdelay $0x3  }
0x36: {  	p1 =	seq.s32 s10, $0x1;
	s10 =	sld [smem:$0x3FAC];
	_ =	sdelay $0x3  }
0x37: {  	[smem:$0x3FAC] =	sst s10  }
0x38: {  	s10 =	sld [smem:$0x3FAD]  }
0x39: {  	_ = 	snop;
	(pc) =	sbr.ind lr, $3  }
0x3a: {  	_ = 	snop  }
0x3b: {  	_ = 	snop  }
0x3c: {  	p2 =	seq.s32 s10, $0x1;
	s10 =	sld [smem:$0x3FAC]  }
0x3d: {  	_ =	shalt  }
0x3e: {  	_ =	shalt  }
0x3f: {  	_ =	shalt  }
0x40: {  	_ =	shalt  }
0x41: {  	_ =	shalt  }
0x42: {  	_ =	shalt  }
0x43: {  	_ =	shalt  }
0x44: {  	_ =	shalt  }
0x45: {  	_ =	shalt  }
0x46: {  	_ =	shalt  }
0x47: {  	_ =	shalt  }
0x48: {  	_ =	shalt  }
0x49: {  	_ =	shalt  }
0x4a: {  	_ =	shalt  }
0x4b: {  	_ =	shalt  }
0x4c: {  	_ =	shalt  }
0x4d: {  	_ =	shalt  }
0x4e: {  	_ =	shalt  }
0x4f: {  	_ =	shalt  }
0x50: {  	_ =	shalt  }
0x51: {  	_ =	shalt  }
0x52: {  	_ =	shalt  }
0x53: {  	_ =	shalt  }
0x54: {  	_ =	shalt  }
0x55: {  	_ =	shalt  }
0x56: {  	_ =	shalt  }
0x57: {  	_ =	shalt  }
0x58: {  	_ =	shalt  }
0x59: {  	_ =	shalt  }
0x5a: {  	_ =	shalt  }
0x5b: {  	_ =	shalt  }
0x5c: {  	_ =	shalt  }
0x5d: {  	_ =	shalt  }
0x5e: {  	_ =	shalt  }
0x5f: {  	_ =	shalt  }
0x60: {  	_ =	shalt  }
0x61: {  	_ =	shalt  }
0x62: {  	_ =	shalt  }
0x63: {  	_ =	shalt  }
0x64: {  	_ =	shalt  }
0x65: {  	_ =	shalt  }
0x66: {  	_ =	shalt  }
0x67: {  	_ =	shalt  }
0x68: {  	_ =	shalt  }
0x69: {  	_ =	shalt  }
0x6a: {  	_ =	shalt  }
0x6b: {  	_ =	shalt  }
0x6c: {  	_ =	shalt  }
0x6d: {  	_ =	shalt  }
0x6e: {  	_ =	shalt  }
0x6f: {  	_ =	shalt  }
0x70: {  	_ =	shalt  }
0x71: {  	_ =	shalt  }
0x72: {  	_ =	shalt  }
0x73: {  	_ =	shalt  }
0x74: {  	_ =	shalt  }
0x75: {  	_ =	shalt  }
0x76: {  	_ =	shalt  }
0x77: {  	_ =	shalt  }
0x78: {  	_ =	shalt  }
0x79: {  	_ =	shalt  }
0x7a: {  	_ =	shalt  }
0x7b: {  	_ =	shalt  }
0x7c: {  	_ =	shalt  }
0x7d: {  	_ =	shalt  }
0x7e: {  	_ =	shalt  }
0x7f: {  	_ =	shalt  }
0x80: {  	_ =	shalt  }
0x81: {  	_ =	shalt  }
0x82: {  	_ =	shalt  }
0x83: {  	_ =	shalt  }
0x84: {  	_ =	shalt  }
0x85: {  	_ =	shalt  }
0x86: {  	_ =	shalt  }
0x87: {  	_ =	shalt  }
.Lfunc_end0:
.L_simem_size_0:
called_computation_lowered:
.L_overlay_start_0:
0x88: {  	s2 =	sld [smem:$0x3FD9]  }
0x89: {  	s3 =	sld [smem:$0x3FFE];
	_ =	sdelay $0x1  }
0x8a: {  	s1 =	srdreg.scid  }
0x8b: {  	s0 =	sand.u32 $0x1, s1  }
0x8c: {  	s17 =	sshll.u32 s0, $0xA;
	s2 =	sadd.s32 s3, s2  }
0x8d: {  	s2 =	sadd.s32 s2, s17  }
0x8e: {  	[smem:$0x3FB8] =	sst s2  }
0x8f: {  	_ = 	snop  }
0x90: {  	s2 =	sld [smem:$0x3FC7]  }
0x91: {  	s18 =	sld [smem:$0x3FC6];
	(tm) =	ssettm $0x1  }
0x92: {  	s4 =	sld [smem:$0x3FFB];
	_ =	sdelay $0x3  }
0x93: {  	_ =	strace s4  }
0x94: {  	s4 =	sld [smem:$0x3FFC];
	_ =	sdelay $0x3  }
0x95: {  	_ =	strace s4  }
0x96: {  	s4 =	sld [smem:$0x3FFD];
	_ =	sdelay $0x3  }
0x97: {  	_ =	strace s4  }
0x98: {  	_ =	strace $0x8FFFFFFF  }
0x99: {  	s19 =	sld [smem:$0x3FDB];
	_ =	sdelay $0x1  }
0x9a: {  	s5 =	simm.s32 $_scs_section_size  }
0x9b: {  	s6 =	simm.s32 $_size__tile_overlayer_lowered;
	s7 =	simm.s32 $_tile_overlayer_lowered  }
0x9c: {  	s22 =	simm.s32 $0x1BFF;
	s21 =	sshll.u32 s7, $0x1;
	s4 =	sadd.s32 s5, s19  }
0x9d: {  	s8 =	simm.s32 $0x0;
	s20 =	sshll.u32 s6, $0x1;
	s6 =	sadd.s32 s21, s4  }
0x9e: {  	[timem:s8], [sflag:s22] =	dma.local [hbm:s6], s20  }
0x9f: {  	_ =	swait.ge [sflag:s22], s20  }
0xa0: {  	s5 =	ssub.s32 $0x0, s20;
	[sflag:s22] =	ssyncset.done $0x0  }
0xa1: {  	[sflag:s22] =	ssyncadd.s32 s5;
	_ =	sdelay $0x1  }
0xa2: {  	s23 =	simm.s32 $0x1B8B  }
0xa3: {  	_ =	swait.ge [sflag:s23], $0x1  }
0xa4: {  	[sflag:s23] =	ssyncset.done $0x0  }
0xa5: {  	s25 =	simm.s32 $0x1B8E;
	s24 =	sld [smem:$0x3FFE];
	[sflag:s23] =	ssyncadd.s32 $0xFFFFFFFF  }
0xa6: {  	s26 =	simm.s32 $execute0_lowered;
	[smem:$0x3FD2] =	sst s25  }
0xa7: {  	s6 =	sshll.u32 s26, $0x1;
	_ =	strace $0x80000046;
	[dreg:$0x1] =	wrdreg $0xFFFFFFFF  }
0xa8: {  	s28 =	simm.s32 $_size_execute0_lowered;
	s4 =	sadd.s32 s4, s6;
	[dreg:$0x0] =	wrdreg $0x0  }
0xa9: {  	s6 =	sshll.u32 s28, $0x1;
	[dreg:$0x2] =	wrdreg s4  }
0xaa: {  	[dreg:$0x3] =	wrdreg s6  }
0xab: {  	[dreg:$0x4] =	wrdreg $0xC0  }
0xac: {  	_ =	task [dreg:s8], $0x5FFFF  }
0xad: {  	[dreg:$0x1] =	wrdreg $0xFFFFFFFF  }
0xae: {  	[dreg:$0x0] =	wrdreg $0x60  }
0xaf: {  	[dreg:$0x2] =	wrdreg s24  }
0xb0: {  	[dreg:$0x3] =	wrdreg s2  }
0xb1: {  	[dreg:$0x4] =	wrdreg s18  }
0xb2: {  	[dreg:$0x5] =	wrdreg $0x9  }
0xb3: {  	_ =	task.clear_ibuf [dreg:s8], $0x6FFFF;
	_ =	strace $0x90000046  }
0xb4: {  	s29 =	simm.s32 $0x9;
	_ =	strace $0x80000048  }
0xb5: {  	_ =	swait.ge [sflag:s29], $0x1  }
0xb6: {  	[sflag:s29] =	ssyncadd.s32 $0xFFFFFFFF  }
0xb7: {  	_ =	strace $0x90000048  }
0xb8: {  	_ =	sfence  }
0xb9: {  	s30 =	sld [smem:$0x0];
	_ =	sdelay $0x2  }
0xba: {  	s31 =	sshll.u32 s1, $0xD;
	s1 =	sshrl.u32 s1, $0x2  }
0xbb: {  	s3 =	sand.u32 $0x4000, s31;
	s1 =	sadd.s32 s1, s30  }
0xbc: {  	s0 =	sor.u32 s3, s0;
	s1 =	sshll.u32 s1, $0x11  }
0xbd: {  	s0 =	sor.u32 s1, s0  }
0xbe: {  	s0 =	sadd.s32 $0x8F2B, s0  }
0xbf: {  	[sflag:s0] =	ssyncadd.remote.s32 $0x1  }
0xc0: {  	_ =	sfence.sel $0xFFFF  }
0xc1: {  	[dreg:$0x0] =	wrdreg $0xFFFFFFFF;
	(pc) =	sbr.abs _section_cstart, $3  }
0xc2: {  	[dreg:$0x1] =	wrdreg $0xFFFFFFFF  }
0xc3: {  	_ =	task.clear_ibuf [dreg:s8], $0x2FFFF;
	_ =	strace $0x9FFFFFFF  }
0xc4: {  	(tm) =	ssettm $0x7FFFFFFF  }
0xc5: {  	_ =	shalt  }
tec
execute0_lowered:
.L_overlay_start_1:
0x0: {  	(tag) =	ssettag $0x1  }
0x1: {  	s5 =	rddreg [dreg:$0x0]  }
0x2: {  	s8 =	rddreg [dreg:$0x1]  }
0x3: {  	s7 =	rddreg [dreg:$0x2]  }
0x4: {  	s0 =	rddreg [dreg:$0x3];
	s2 =	simm.s32 $0x0;
	s1 =	stileid.u32  }
0x5: {  	s3 =	srdreg.scid;
	s14 =	simm.s32 $0x0;
	s6 =	smul.u32 $0x186A00, s1  }
0x6: {  	[smem:$0x7FF] =	sst s2;
	s9 =	sand.u32 $0x1, s3;
	s10 =	smul.u32 $0x30D40, s1  }
0x7: {  	s3 =	sadd.s32 $0x497E00, s5;
	s11 =	ssub.s32 $0x2, s9;
	s12 =	smul.u32 $0x186A0, s9  }
0x8: {  	s4 =	sadd.s32 $0x18AA00, s5;
	s9 =	smul.u32 $0xC3500, s9;
	s13 =	sshrl.u32 s11, $0x1  }
0x9: {  	_ =	strace $0x80000047;
	s6 =	sadd.s32 s6, s5;
	s30 =	ssub.s32 s11, s13  }
0xa: {  	s10 =	sadd.s32 s12, s10;
	s6 =	sadd.s32 s9, s6;
	s9 =	simm.s32 $0x3  }
0xb: {  	s11 =	simm.s32 $0x7D0;
	s12 =	simm.s32 $0x1;
	s13 =	simm.s32 $0x2  }
0xc: {  	s5 =	smax.u32 s30, $0x1;
	s31 =	sshrl.u32 s10, $0x3;
	s6 =	sadd.s32 $0x55B400, s6  }
0xd: {  	s10 =	simm.s32 $0x3E8;
	s7 =	sadd.s32 s31, s7;
	s8 =	sadd.s32 s31, s8  }
.LBB2_1:
0xe: {  	s15 =	sadd.s32 $0x0, s8  }
0xf: {  	[tilespmem:s2], [sflag:$0x3] =	stream.linear.gather [hbm4b:s15+s2], $0x3E8, $0x38;
	[tilespmem:$0x101D0] =	vst v63  }
0x10: {  	_ =	swait.ge [sflag:s9], $0x3E8  }
0x11: {  	[sflag:s9] =	ssyncset.done $0x0  }
0x12: {  	s31 =	sadd.s32 $0x0, s7;
	[sflag:s9] =	ssyncadd.s32 $0xFFFFFC18  }
0x13: {  	[tilespmem:s10], [sflag:$0x3] =	stream.linear.gather [hbm4b:s31+s2], $0x3E8, $0x38;
	[tilespmem:$0x101D0] =	vst v63  }
0x14: {  	_ =	swait.ge [sflag:s9], $0x3E8  }
0x15: {  	[sflag:s9] =	ssyncset.done $0x0  }
0x16: {  	[sflag:s9] =	ssyncadd.s32 $0xFFFFFC18  }
0x17: {  	[tilespmem:s11], [sflag:$0x1] =	stream.indirect.gather [hbm4b:s3+s10], $0x40, s2, s10, $0xb8;
	[tilespmem:$0x101D0] =	vst v63  }
0x18: {  	_ =	swait.ge [sflag:s12], $0xFA00  }
0x19: {  	[sflag:s12] =	ssyncset.done $0x0  }
0x1a: {  	[sflag:s12] =	ssyncadd.s32 $0xFFFF0600  }
0x1b: {  	[tilespmem:s11], [sflag:$0x2] =	stream.indirect.gather.add.f32 [hbm:s4], $0x40, s10, s10, $0xb8;
	[tilespmem:$0x101D0] =	vst v63  }
0x1c: {  	_ =	swait.ge [sflag:s13], $0xFA00  }
0x1d: {  	[sflag:s13] =	ssyncset.done $0x0  }
0x1e: {  	[sflag:s13] =	ssyncadd.s32 $0xFFFF0600  }
0x1f: {  	[hbm4b:s6+s2] =	stream.linear.scatter [tilespmem:s11], [sflag:$0x3], $0xFA00, $0x38;
	[tilespmem:$0x101D0] =	vst v63  }
0x20: {  	s16 =	simm.s32 $0x7D;
	_ =	swait.ge [sflag:s9], $0xFA00  }
0x21: {  	s17 =	simm.s32 $0xFA;
	s15 =	sadd.s32 $0x1F40, s6;
	[sflag:s9] =	ssyncset.done $0x0  }
.LBB2_2:
0x22: {  	s18 =	sadd.s32 s16, s8  }
0x23: {  	[sflag:s9] =	ssyncadd.s32 $0xFFFF0600;
	s19 =	smov.u32 s17;
	s20 =	sadd.s32 $0x7D, s17  }
0x24: {  	[tilespmem:s2], [sflag:$0x3] =	stream.linear.gather [hbm4b:s18+s2], $0x3E8, $0x38;
	[tilespmem:$0x101D0] =	vst v63  }
0x25: {  	p0 =	sne.s32 s17, $0x3057;
	_ =	swait.ge [sflag:s9], $0x3E8  }
0x26: {  	[sflag:s9] =	ssyncset.done $0x0  }
0x27: {  	s17 =	sadd.s32 s16, s7;
	s16 =	smov.u32 s19;
	[sflag:s9] =	ssyncadd.s32 $0xFFFFFC18  }
0x28: {  	[tilespmem:s10], [sflag:$0x3] =	stream.linear.gather [hbm4b:s17+s2], $0x3E8, $0x38;
	[tilespmem:$0x101D0] =	vst v63  }
0x29: {  	_ =	swait.ge [sflag:s9], $0x3E8  }
0x2a: {  	[sflag:s9] =	ssyncset.done $0x0  }
0x2b: {  	[sflag:s9] =	ssyncadd.s32 $0xFFFFFC18  }
0x2c: {  	[tilespmem:s11], [sflag:$0x1] =	stream.indirect.gather [hbm4b:s3+s10], $0x40, s2, s10, $0xb8;
	[tilespmem:$0x101D0] =	vst v63  }
0x2d: {  	_ =	swait.ge [sflag:s12], $0xFA00  }
0x2e: {  	[sflag:s12] =	ssyncset.done $0x0  }
0x2f: {  	[sflag:s12] =	ssyncadd.s32 $0xFFFF0600  }
0x30: {  	[tilespmem:s11], [sflag:$0x2] =	stream.indirect.gather.add.f32 [hbm:s4], $0x40, s10, s10, $0xb8;
	[tilespmem:$0x101D0] =	vst v63  }
0x31: {  	_ =	swait.ge [sflag:s13], $0xFA00  }
.Ltmp0:
0x32: {  	[sflag:s13] =	ssyncset.done $0x0;
	(pc) =	sbr.rel @p0 .LBB2_2-.Ltmp0, $4  }
0x33: {  	[sflag:s13] =	ssyncadd.s32 $0xFFFF0600  }
0x34: {  	[hbm4b:s15+s2] =	stream.linear.scatter [tilespmem:s11], [sflag:$0x3], $0xFA00, $0x38;
	[tilespmem:$0x101D0] =	vst v63  }
0x35: {  	_ =	swait.ge [sflag:s9], $0xFA00  }
0x36: {  	s17 =	smov.u32 s20;
	s15 =	sadd.s32 $0x1F40, s15;
	[sflag:s9] =	ssyncset.done $0x0  }
0x37: {  	s17 =	sadd.s32 s16, s8;
	[sflag:s9] =	ssyncadd.s32 $0xFFFF0600  }
0x38: {  	[tilespmem:s2], [sflag:$0x3] =	stream.linear.gather [hbm4b:s17+s2], $0x3E8, $0x38;
	[tilespmem:$0x101D0] =	vst v63  }
0x39: {  	_ =	swait.ge [sflag:s9], $0x3E8  }
0x3a: {  	[sflag:s9] =	ssyncset.done $0x0  }
0x3b: {  	s31 =	sadd.s32 s16, s7;
	[sflag:s9] =	ssyncadd.s32 $0xFFFFFC18  }
0x3c: {  	[tilespmem:s10], [sflag:$0x3] =	stream.linear.gather [hbm4b:s31+s2], $0x3E8, $0x38;
	[tilespmem:$0x101D0] =	vst v63  }
0x3d: {  	_ =	swait.ge [sflag:s9], $0x3E8  }
0x3e: {  	[sflag:s9] =	ssyncset.done $0x0  }
0x3f: {  	[sflag:s9] =	ssyncadd.s32 $0xFFFFFC18  }
0x40: {  	[tilespmem:s11], [sflag:$0x1] =	stream.indirect.gather [hbm4b:s3+s10], $0x40, s2, s10, $0xb8;
	[tilespmem:$0x101D0] =	vst v63  }
0x41: {  	_ =	swait.ge [sflag:s12], $0xFA00  }
0x42: {  	[sflag:s12] =	ssyncset.done $0x0  }
0x43: {  	[sflag:s12] =	ssyncadd.s32 $0xFFFF0600  }
0x44: {  	[tilespmem:s11], [sflag:$0x2] =	stream.indirect.gather.add.f32 [hbm:s4], $0x40, s10, s10, $0xb8;
	[tilespmem:$0x101D0] =	vst v63  }
0x45: {  	s14 =	sadd.s32 $0x1, s14;
	_ =	swait.ge [sflag:s13], $0xFA00  }
0x46: {  	p0 =	sne.s32 s14, s5;
	[sflag:s13] =	ssyncset.done $0x0  }
.Ltmp1:
0x47: {  	[sflag:s13] =	ssyncadd.s32 $0xFFFF0600;
	(pc) =	sbr.rel @p0 .LBB2_1-.Ltmp1, $4  }
0x48: {  	[hbm4b:s15+s2] =	stream.linear.scatter [tilespmem:s11], [sflag:$0x3], $0xFA00, $0x38;
	[tilespmem:$0x101D0] =	vst v63  }
0x49: {  	_ =	swait.ge [sflag:s9], $0xFA00  }
0x4a: {  	[sflag:s9] =	ssyncset.done $0x0  }
0x4b: {  	[sflag:s9] =	ssyncadd.s32 $0xFFFF0600  }
0x4c: {  	_ =	sfence.sel $0x180000  }
0x4d: {  	[bflag:$0x0] =	sbarrier.arrive $0xFFFF  }
0x4e: {  	p0 =	sne.s32 s1, $0x0;
	_ =	strace $0x90000047  }
0x4f: {  	s0 =	sadd.s32 @!p0 $0x100000, s0;
	[bflag:$0x2] =	sbarrier.arrive $0xFFFF  }
0x50: {  	[sflag:s0] =	ssyncadd.tile.s32 @!p0 $0x1;
	_ =	shalt  }
.Lfunc_end2:
_tile_overlayer_lowered:
.L_overlay_start_2:
0x51: {  	(tag) =	ssettag $0x2  }
0x52: {  	s0 =	rddreg [dreg:$0x0];
	s2 =	stileid.u32  }
0x53: {  	s1 =	rddreg [dreg:$0x1];
	p0 =	sne.s32 s2, $0x0  }
0x54: {  	s3 =	rddreg [dreg:$0x2];
	[bflag:$0x3] =	sbarrier.arrive $0xFFFF;
	s2 =	simm.s32 @!p0 $0x1C03  }
0x55: {  	[timem:s3], [sflag:s2] =	dma.local @!p0 [hbm:s0], s1  }
0x56: {  	s0 =	simm.s32 @!p0 $0x3  }
0x57: {  	_ =	swait.ge @!p0 [sflag:s0], s1  }
0x58: {  	s1 =	ssub.s32 @!p0 $0x0, s1;
	[sflag:s0] =	ssyncset.done @!p0 $0x0  }
0x59: {  	[sflag:s0] =	ssyncadd.s32 @!p0 s1  }
0x5a: {  	[bflag:$0x3] =	sbarrier.arrive $0xFFFF  }
0x5b: {  	_ =	shalt  }

</sc_bundles>
